<compile_context>
chip_gen: v7x
topology: tpu7x:2x2x1
jax: 0.10.2.dev20260603
libtpu: 0.0.44.dev20260713+nightly
codegen_flags: <defaults>
</compile_context>

<pallas_src>
import functools

import jax
import jax.numpy as jnp
from jax import lax
from jax.experimental import pallas as pl
from jax.experimental.pallas import tpu as pltpu
from jax.experimental.pallas import tpu_sc as plsc

S = 2048
D = 768
E = 8
H = 3072
K = 2
M = 256
NT = K * S // M + E
R = NT * M
NTE = 128
NSLOT = 2


def _dg(a, b, dims):
    return lax.dot_general(a, b, (dims, ((), ())),
                           preferred_element_type=jnp.float32)


def _router_body(x_ref, rw_ref, probs_ref, usage_ref, lb_ref, z_ref,
                 w0_ref, w1_ref, d0_ref, d1_ref, meta_ref):
    x = x_ref[...]
    rw = rw_ref[...]
    logits = _dg(x, rw, ((1,), (1,)))

    lane = lax.broadcasted_iota(jnp.int32, (S, E), 1)
    m = jnp.max(logits, axis=1, keepdims=True)
    ex = jnp.exp(logits - m)
    se = jnp.sum(ex, axis=1, keepdims=True)
    probs = ex / se
    probs_ref[...] = probs
    usage = jnp.sum(probs, axis=0, keepdims=True) * (1.0 / S)
    usage_ref[...] = usage
    lb_ref[...] = jnp.reshape(jnp.sum(usage * usage) * E, (1, 1))
    lse = m + jnp.log(se)
    z_ref[...] = jnp.reshape(jnp.sum(lse * lse) * (1.0 / S), (1, 1))

    i1 = jnp.min(jnp.where(logits == m, lane, E), axis=1, keepdims=True)
    masked = jnp.where(lane == i1, -1e30, logits)
    l2 = jnp.max(masked, axis=1, keepdims=True)
    i2 = jnp.min(jnp.where(masked == l2, lane, E), axis=1, keepdims=True)
    e2 = jnp.exp(l2 - m)
    w0_ref[...] = 1.0 / (1.0 + e2)
    w1_ref[...] = e2 / (1.0 + e2)

    oh0 = (lane == i1).astype(jnp.float32)
    oh1 = (lane == i2).astype(jnp.float32)
    ohs = oh0 + oh1
    cc_in = ohs
    k = 1
    while k < S:
        shifted = jnp.concatenate(
            [jnp.zeros((k, E), jnp.float32), cc_in[:S - k]], axis=0)
        cc_in = cc_in + shifted
        k *= 2
    cc_ex = cc_in - ohs
    ones_col = jnp.ones((S, 1), jnp.float32)
    counts = _dg(ohs, ones_col, ((0,), (0,)))
    padded = jnp.ceil(counts * (1.0 / M)) * M
    er = lax.broadcasted_iota(jnp.int32, (E, E), 0)
    ec = lax.broadcasted_iota(jnp.int32, (E, E), 1)
    tri_e = (er > ec).astype(jnp.float32)
    start = _dg(tri_e, padded, ((1,), (0,)))
    s0 = _dg(oh0, start, ((1,), (0,)))
    s1 = _dg(oh1, start, ((1,), (0,)))
    r0 = jnp.sum(cc_ex * oh0, axis=1, keepdims=True)
    r1 = jnp.sum((cc_ex + oh0) * oh1, axis=1, keepdims=True)
    d0_ref[...] = (s0 + r0).astype(jnp.int32)
    d1_ref[...] = (s1 + r1).astype(jnp.int32)

    i8 = (er == ec).astype(jnp.float32)
    end_row = _dg(start + padded, i8, ((0,), (0,)))
    tcol = lax.broadcasted_iota(jnp.int32, (NTE, 1), 0)
    tpos = tcol.astype(jnp.float32) * M
    owner = jnp.sum((end_row <= tpos).astype(jnp.int32), axis=1, keepdims=True)
    te_col = jnp.minimum(owner, E - 1)
    te_prev = jnp.concatenate([te_col[:1], te_col[:-1]], axis=0)
    eo_col = (te_col != te_prev).astype(jnp.int32)
    k = 1
    while k < NTE:
        eo_col = eo_col + jnp.concatenate(
            [jnp.zeros((k, 1), jnp.int32), eo_col[:NTE - k]], axis=0)
        k *= 2
    i128 = (lax.broadcasted_iota(jnp.int32, (NTE, NTE), 0) ==
            lax.broadcasted_iota(jnp.int32, (NTE, NTE), 1)).astype(jnp.float32)
    eo_row = _dg(eo_col.astype(jnp.float32), i128, ((0,), (0,)))
    te_row = _dg(te_col.astype(jnp.float32), i128, ((0,), (0,)))
    mask = tcol.astype(jnp.float32) == eo_row
    fte_col = jnp.min(jnp.where(mask, te_row, 99.0), axis=1,
                      keepdims=True).astype(jnp.int32)
    nu = (jnp.sum(padded) * (1.0 / M)).astype(jnp.int32)
    used = tcol < nu
    ne = jnp.max(jnp.where(used, eo_col, 0)) + 1
    col3 = (jnp.where(tcol == 0, nu, 0) + jnp.where(tcol == 1, ne, 0))
    meta_ref[...] = jnp.concatenate([te_col, eo_col, fte_col, col3], axis=1)


def _router_dispatch(x2, router_W):
    f32 = jnp.float32
    i32 = jnp.int32
    outs = pl.pallas_call(
        _router_body,
        out_shape=[
            jax.ShapeDtypeStruct((S, E), f32),
            jax.ShapeDtypeStruct((1, E), f32),
            jax.ShapeDtypeStruct((1, 1), f32),
            jax.ShapeDtypeStruct((1, 1), f32),
            jax.ShapeDtypeStruct((S, 1), f32),
            jax.ShapeDtypeStruct((S, 1), f32),
            jax.ShapeDtypeStruct((S, 1), i32),
            jax.ShapeDtypeStruct((S, 1), i32),
            jax.ShapeDtypeStruct((NTE, 4), i32),
        ],
    )(x2, router_W)
    return outs


def _sc_dispatch(x2, d0, d1, ch, ncores):
    mesh = plsc.VectorSubcoreMesh(core_axis_name="c", subcore_axis_name="s")

    @functools.partial(
        pl.kernel, mesh=mesh,
        out_type=jax.ShapeDtypeStruct((R, D), jnp.float32),
        scratch_types=[
            pltpu.VMEM((ch,), jnp.int32),
            pltpu.VMEM((ch,), jnp.int32),
            pltpu.VMEM((ch, D), jnp.float32),
            pltpu.SemaphoreType.DMA,
            pltpu.SemaphoreType.DMA,
            pltpu.SemaphoreType.DMA,
        ],
    )
    def k(x_hbm, d0_hbm, d1_hbm, out_hbm, i0_v, i1_v, rows_v, s0, s1, s2):
        w = lax.axis_index("s") * ncores + lax.axis_index("c")
        base = w * ch
        c0 = pltpu.async_copy(d0_hbm.at[pl.ds(base, ch)], i0_v, s0)
        c1 = pltpu.async_copy(d1_hbm.at[pl.ds(base, ch)], i1_v, s1)
        c2 = pltpu.async_copy(x_hbm.at[pl.ds(base, ch)], rows_v, s2)
        c0.wait()
        c1.wait()
        c2.wait()
        t0 = pltpu.async_copy(rows_v, out_hbm.at[i0_v], s0)
        t1 = pltpu.async_copy(rows_v, out_hbm.at[i1_v], s1)
        t0.wait()
        t1.wait()

    return k(x2, d0, d1)


def _ffn_body(meta_ref, x_ref, w1_hbm, w3_hbm, w2_hbm, y_ref,
              w1b, w3b, w2b, sems):
    t = pl.program_id(0)
    nu = meta_ref[0, 3]
    ne = meta_ref[1, 3]

    def issue(ordinal, slot):
        e = meta_ref[ordinal, 2]
        pltpu.make_async_copy(w1_hbm.at[e], w1b.at[slot],
                              sems.at[slot, 0]).start()
        pltpu.make_async_copy(w3_hbm.at[e], w3b.at[slot],
                              sems.at[slot, 1]).start()
        pltpu.make_async_copy(w2_hbm.at[e], w2b.at[slot],
                              sems.at[slot, 2]).start()

    def wait(slot):
        pltpu.make_async_copy(w1_hbm.at[0], w1b.at[slot],
                              sems.at[slot, 0]).wait()
        pltpu.make_async_copy(w3_hbm.at[0], w3b.at[slot],
                              sems.at[slot, 1]).wait()
        pltpu.make_async_copy(w2_hbm.at[0], w2b.at[slot],
                              sems.at[slot, 2]).wait()

    @pl.when(t == 0)
    def _():
        issue(0, 0)

    @pl.when(t < nu)
    def _():
        eo = meta_ref[t, 1]
        slot = lax.rem(eo, NSLOT)
        is_first = jnp.logical_or(
            t == 0, meta_ref[jnp.maximum(t - 1, 0), 0] != meta_ref[t, 0])

        @pl.when(is_first)
        def _():
            wait(slot)
            @pl.when(eo + 1 < ne)
            def _():
                issue(eo + 1, lax.rem(eo + 1, NSLOT))

        xb = x_ref[...]
        g = _dg(xb, w1b[slot], ((1,), (1,)))
        u = _dg(xb, w3b[slot], ((1,), (1,)))
        g = g * (1.0 / (1.0 + jnp.exp(-g)))
        y_ref[...] = _dg(g * u, w2b[slot], ((1,), (1,)))


def _grouped_ffn(meta, xs, W1, W2, W3):
    grid_spec = pltpu.PrefetchScalarGridSpec(
        num_scalar_prefetch=1,
        grid=(NT,),
        in_specs=[
            pl.BlockSpec((M, D), lambda t, meta: (t, 0)),
            pl.BlockSpec(memory_space=pltpu.MemorySpace.HBM),
            pl.BlockSpec(memory_space=pltpu.MemorySpace.HBM),
            pl.BlockSpec(memory_space=pltpu.MemorySpace.HBM),
        ],
        out_specs=pl.BlockSpec((M, D), lambda t, meta: (t, 0)),
        scratch_shapes=[
            pltpu.VMEM((NSLOT, H, D), jnp.float32),
            pltpu.VMEM((NSLOT, H, D), jnp.float32),
            pltpu.VMEM((NSLOT, D, H), jnp.float32),
            pltpu.SemaphoreType.DMA((NSLOT, 3)),
        ],
    )
    return pl.pallas_call(
        _ffn_body,
        grid_spec=grid_spec,
        out_shape=jax.ShapeDtypeStruct((R, D), jnp.float32),
        compiler_params=pltpu.CompilerParams(
            vmem_limit_bytes=112 * 1024 * 1024),
    )(meta, xs, W1, W3, W2)


def _sc_gather(y, d0, d1, ch, ncores):
    mesh = plsc.VectorSubcoreMesh(core_axis_name="c", subcore_axis_name="s")

    @functools.partial(
        pl.kernel, mesh=mesh,
        out_type=(jax.ShapeDtypeStruct((S, D), jnp.float32),
                  jax.ShapeDtypeStruct((S, D), jnp.float32)),
        scratch_types=[
            pltpu.VMEM((ch,), jnp.int32),
            pltpu.VMEM((ch,), jnp.int32),
            pltpu.VMEM((ch, D), jnp.float32),
            pltpu.VMEM((ch, D), jnp.float32),
            pltpu.SemaphoreType.DMA,
            pltpu.SemaphoreType.DMA,
        ],
    )
    def k(y_hbm, d0_hbm, d1_hbm, o0_hbm, o1_hbm,
          i0_v, i1_v, rows0_v, rows1_v, s0, s1):
        w = lax.axis_index("s") * ncores + lax.axis_index("c")
        base = w * ch
        c0 = pltpu.async_copy(d0_hbm.at[pl.ds(base, ch)], i0_v, s0)
        c1 = pltpu.async_copy(d1_hbm.at[pl.ds(base, ch)], i1_v, s1)
        c0.wait()
        g0 = pltpu.async_copy(y_hbm.at[i0_v], rows0_v, s0)
        c1.wait()
        g1 = pltpu.async_copy(y_hbm.at[i1_v], rows1_v, s1)
        g0.wait()
        o0 = pltpu.async_copy(rows0_v, o0_hbm.at[pl.ds(base, ch)], s0)
        g1.wait()
        o1 = pltpu.async_copy(rows1_v, o1_hbm.at[pl.ds(base, ch)], s1)
        o0.wait()
        o1.wait()

    return k(y, d0, d1)


def _combine_body(y0_ref, y1_ref, w0_ref, w1_ref, o_ref):
    o_ref[...] = w0_ref[...] * y0_ref[...] + w1_ref[...] * y1_ref[...]


def _combine(yp0, yp1, w0, w1):
    return pl.pallas_call(
        _combine_body,
        out_shape=jax.ShapeDtypeStruct((S, D), jnp.float32),
    )(yp0, yp1, w0, w1)


def kernel(x, router_W, W1, W2, W3):
    x2 = x.reshape(S, D)
    (probs, usage, lb, z, w0, w1, d0, d1, meta) = _router_dispatch(
        x2, router_W)
    d0f = d0.reshape(S)
    d1f = d1.reshape(S)

    info = plsc.get_sparse_core_info()
    nw = info.num_cores * info.num_subcores
    ch = S // nw

    xs = _sc_dispatch(x2, d0f, d1f, ch, info.num_cores)
    y = _grouped_ffn(meta, xs, W1, W2, W3)
    yp0, yp1 = _sc_gather(y, d0f, d1f, ch, info.num_cores)
    out = _combine(yp0, yp1, w0, w1)

    return (out.reshape(1, S, D), lb.reshape(()), z.reshape(()),
            usage.reshape(E), probs.reshape(1, S, E))

# --- scband reference (transcript-rebuilt; emitter-appended) ---
"""Pipeline reference for scband-mo-elayer-23493471109263 (READ-ONLY COPY).

The authoritative reference and input builder live on the scoring server;
editing this copy changes nothing except your own understanding.
"""

import jax, jax.numpy as jnp
import numpy as np

HDIM = 768
FF_MULT = 4
NUM_EXPERTS = 8
TOP_K = 2
HIDDEN = HDIM * FF_MULT
B = 1
S = 2048


def setup_inputs(seed: int = 0) -> dict:
    key = jax.random.key(seed)
    ks = jax.random.split(key, 5)
    x = jax.random.normal(ks[0], (B, S, HDIM), dtype=jnp.float32)
    router_W = jax.random.normal(ks[1], (NUM_EXPERTS, HDIM), dtype=jnp.float32) * 0.02
    W1 = jax.random.normal(ks[2], (NUM_EXPERTS, HIDDEN, HDIM), dtype=jnp.float32) * 0.02
    W2 = jax.random.normal(ks[3], (NUM_EXPERTS, HDIM, HIDDEN), dtype=jnp.float32) * 0.02
    W3 = jax.random.normal(ks[4], (NUM_EXPERTS, HIDDEN, HDIM), dtype=jnp.float32) * 0.02
    return {"x": x, "router_W": router_W, "W1": W1, "W2": W2, "W3": W3}


def reference(x, router_W, W1, W2, W3):
    b, s, d = x.shape
    E = router_W.shape[0]
    # Router: linear (no bias) -> top-k -> softmax over top-k logits
    router_logits = jnp.einsum('bsd,ed->bse', x, router_W)
    top_k_logits, expert_indices = jax.lax.top_k(router_logits, TOP_K)
    expert_weights = jax.nn.softmax(top_k_logits, axis=-1)
    routing_probs = jax.nn.softmax(router_logits, axis=-1)
    expert_usage = routing_probs.mean(axis=(0, 1))
    load_balance_loss = jnp.sum(expert_usage * expert_usage) * E
    router_z_loss = jnp.mean(jax.nn.logsumexp(router_logits, axis=-1) ** 2)
    # Expert dispatch (token gather per expert, SwiGLU, weighted scatter-add)
    x_flat = x.reshape(-1, d)
    w_flat = expert_weights.reshape(-1, TOP_K)
    idx_flat = expert_indices.reshape(-1, TOP_K)
    out_flat = jnp.zeros_like(x_flat)
    for i in range(TOP_K):
        for e in range(E):
            mask = (idx_flat[:, i] == e)[:, None]
            t = x_flat
            gate = jax.nn.silu(t @ W1[e].T)
            up = t @ W3[e].T
            expert_out = (gate * up) @ W2[e].T
            out_flat = out_flat + jnp.where(mask, w_flat[:, i:i + 1] * expert_out, 0.0)
    output = out_flat.reshape(b, s, d)
    return (output, load_balance_loss, router_z_loss, expert_usage, routing_probs)

if __name__ == "__main__":
    import jax
    _d = setup_inputs()
    print(jax.jit(kernel)(*tuple(_d.values())))

</pallas_src>

<mosaic_0001>
#map = affine_map<(d0, d1) -> (0, 0)>
#map1 = affine_map<(d0, d1) -> (0)>
module attributes {stable_mosaic.version = 14 : i64} {
  func.func @k(%arg0: i32, %arg1: i32, %arg2: memref<2048x768xf32, #tpu.memory_space<hbm>>, %arg3: memref<2048xi32, #tpu.memory_space<hbm>>, %arg4: memref<2048xi32, #tpu.memory_space<hbm>>, %arg5: memref<6144x768xf32, #tpu.memory_space<hbm>>, %arg6: memref<64xi32, #tpu.memory_space<vmem>>, %arg7: memref<64xi32, #tpu.memory_space<vmem>>, %arg8: memref<64x768xf32, #tpu.memory_space<vmem>>, %arg9: memref<!tpu.dma_semaphore, #tpu.memory_space<semaphore_mem>>, %arg10: memref<!tpu.dma_semaphore, #tpu.memory_space<semaphore_mem>>, %arg11: memref<!tpu.dma_semaphore, #tpu.memory_space<semaphore_mem>>) attributes {dimension_semantics = [#tpu.dimension_semantics<core_parallel>, #tpu.dimension_semantics<subcore_parallel>], iteration_bounds = array<i64: 2, 16>, scalar_prefetch = 0 : i64, scratch_operands = 6 : i64, tpu.core_type = #tpu.core_type<sc_vector_subcore>, window_params = [{transform_indices = #map}, {transform_indices = #map1}, {transform_indices = #map1}, {transform_indices = #map}]} {
    %mul3A = arith.constant 2 : i32
    %mul3A_0 = arith.muli %arg1, %mul3A : i32
    %add3A = arith.addi %mul3A_0, %arg0 : i32
    %mul3A_1 = arith.constant 64 : i32
    %mul3A_2 = arith.muli %add3A, %mul3A_1 : i32
    %dma_start3A = tpu.memref_slice %arg3[%mul3A_2] : memref<2048xi32, #tpu.memory_space<hbm>> -> memref<64xi32, #tpu.memory_space<hbm>>
    %dma_start3A_3 = tpu.memref_slice %arg3[%mul3A_2] : memref<2048xi32, #tpu.memory_space<hbm>> -> memref<64xi32, #tpu.memory_space<hbm>>
    tpu.enqueue_dma source(%dma_start3A_3 : memref<64xi32, #tpu.memory_space<hbm>>) target(%arg6 : memref<64xi32, #tpu.memory_space<vmem>>) target_semaphore(%arg9 : memref<!tpu.dma_semaphore, #tpu.memory_space<semaphore_mem>>)
    %dma_start3A_4 = tpu.memref_slice %arg4[%mul3A_2] : memref<2048xi32, #tpu.memory_space<hbm>> -> memref<64xi32, #tpu.memory_space<hbm>>
    %dma_start3A_5 = tpu.memref_slice %arg4[%mul3A_2] : memref<2048xi32, #tpu.memory_space<hbm>> -> memref<64xi32, #tpu.memory_space<hbm>>
    tpu.enqueue_dma source(%dma_start3A_5 : memref<64xi32, #tpu.memory_space<hbm>>) target(%arg7 : memref<64xi32, #tpu.memory_space<vmem>>) target_semaphore(%arg10 : memref<!tpu.dma_semaphore, #tpu.memory_space<semaphore_mem>>)
    %dma_start3A_6 = arith.constant 0 : i32
    %dma_start3A_7 = tpu.memref_slice %arg2[%mul3A_2, %dma_start3A_6] : memref<2048x768xf32, #tpu.memory_space<hbm>> -> memref<64x768xf32, #tpu.memory_space<hbm>>
    %dma_start3A_8 = arith.constant 0 : i32
    %dma_start3A_9 = tpu.memref_slice %arg2[%mul3A_2, %dma_start3A_8] : memref<2048x768xf32, #tpu.memory_space<hbm>> -> memref<64x768xf32, #tpu.memory_space<hbm>>
    tpu.enqueue_dma source(%dma_start3A_9 : memref<64x768xf32, #tpu.memory_space<hbm>>) target(%arg8 : memref<64x768xf32, #tpu.memory_space<vmem>>) target_semaphore(%arg11 : memref<!tpu.dma_semaphore, #tpu.memory_space<semaphore_mem>>)
    %dma_wait3A = tpu.memref_slice %arg3[%mul3A_2] : memref<2048xi32, #tpu.memory_space<hbm>> -> memref<64xi32, #tpu.memory_space<hbm>>
    %dma_wait3A_10 = tpu.memref_slice %arg3[%mul3A_2] : memref<2048xi32, #tpu.memory_space<hbm>> -> memref<64xi32, #tpu.memory_space<hbm>>
    tpu.wait_dma2 semaphore(%arg9 : memref<!tpu.dma_semaphore, #tpu.memory_space<semaphore_mem>>) src(%dma_wait3A_10 : memref<64xi32, #tpu.memory_space<hbm>>) dst(%arg6 : memref<64xi32, #tpu.memory_space<vmem>>)
    %dma_wait3A_11 = tpu.memref_slice %arg4[%mul3A_2] : memref<2048xi32, #tpu.memory_space<hbm>> -> memref<64xi32, #tpu.memory_space<hbm>>
    %dma_wait3A_12 = tpu.memref_slice %arg4[%mul3A_2] : memref<2048xi32, #tpu.memory_space<hbm>> -> memref<64xi32, #tpu.memory_space<hbm>>
    tpu.wait_dma2 semaphore(%arg10 : memref<!tpu.dma_semaphore, #tpu.memory_space<semaphore_mem>>) src(%dma_wait3A_12 : memref<64xi32, #tpu.memory_space<hbm>>) dst(%arg7 : memref<64xi32, #tpu.memory_space<vmem>>)
    %dma_wait3A_13 = arith.constant 0 : i32
    %dma_wait3A_14 = tpu.memref_slice %arg2[%mul3A_2, %dma_wait3A_13] : memref<2048x768xf32, #tpu.memory_space<hbm>> -> memref<64x768xf32, #tpu.memory_space<hbm>>
    %dma_wait3A_15 = arith.constant 0 : i32
    %dma_wait3A_16 = tpu.memref_slice %arg2[%mul3A_2, %dma_wait3A_15] : memref<2048x768xf32, #tpu.memory_space<hbm>> -> memref<64x768xf32, #tpu.memory_space<hbm>>
    tpu.wait_dma2 semaphore(%arg11 : memref<!tpu.dma_semaphore, #tpu.memory_space<semaphore_mem>>) src(%dma_wait3A_16 : memref<64x768xf32, #tpu.memory_space<hbm>>) dst(%arg8 : memref<64x768xf32, #tpu.memory_space<vmem>>)
    %dma_start3A_17 = arith.constant 0 : i32
    %dma_start3A_18 = arith.constant 0 : i32
    %dma_start3A_19 = tpu.memref_slice %arg5[%dma_start3A_17, %dma_start3A_18] : memref<6144x768xf32, #tpu.memory_space<hbm>> -> memref<6144x768xf32, #tpu.memory_space<hbm>>
    tpu.enqueue_indirect_dma source(%arg8 : memref<64x768xf32, #tpu.memory_space<vmem>>) target(%dma_start3A_19 : memref<6144x768xf32, #tpu.memory_space<hbm>>) offsets(%arg6 : memref<64xi32, #tpu.memory_space<vmem>>) semaphore(%arg9 : memref<!tpu.dma_semaphore, #tpu.memory_space<semaphore_mem>>)
    %dma_start3A_20 = arith.constant 0 : i32
    %dma_start3A_21 = arith.constant 0 : i32
    %dma_start3A_22 = tpu.memref_slice %arg5[%dma_start3A_20, %dma_start3A_21] : memref<6144x768xf32, #tpu.memory_space<hbm>> -> memref<6144x768xf32, #tpu.memory_space<hbm>>
    tpu.enqueue_indirect_dma source(%arg8 : memref<64x768xf32, #tpu.memory_space<vmem>>) target(%dma_start3A_22 : memref<6144x768xf32, #tpu.memory_space<hbm>>) offsets(%arg7 : memref<64xi32, #tpu.memory_space<vmem>>) semaphore(%arg10 : memref<!tpu.dma_semaphore, #tpu.memory_space<semaphore_mem>>)
    %dma_wait3A_23 = arith.constant 0 : i32
    %dma_wait3A_24 = arith.constant 0 : i32
    %dma_wait3A_25 = tpu.memref_slice %arg5[%dma_wait3A_23, %dma_wait3A_24] : memref<6144x768xf32, #tpu.memory_space<hbm>> -> memref<6144x768xf32, #tpu.memory_space<hbm>>
    tpu.wait_indirect_dma semaphore(%arg9 : memref<!tpu.dma_semaphore, #tpu.memory_space<semaphore_mem>>) src(%arg8 : memref<64x768xf32, #tpu.memory_space<vmem>>) dst(%dma_wait3A_25 : memref<6144x768xf32, #tpu.memory_space<hbm>>)
    %dma_wait3A_26 = arith.constant 0 : i32
    %dma_wait3A_27 = arith.constant 0 : i32
    %dma_wait3A_28 = tpu.memref_slice %arg5[%dma_wait3A_26, %dma_wait3A_27] : memref<6144x768xf32, #tpu.memory_space<hbm>> -> memref<6144x768xf32, #tpu.memory_space<hbm>>
    tpu.wait_indirect_dma semaphore(%arg10 : memref<!tpu.dma_semaphore, #tpu.memory_space<semaphore_mem>>) src(%arg8 : memref<64x768xf32, #tpu.memory_space<vmem>>) dst(%dma_wait3A_28 : memref<6144x768xf32, #tpu.memory_space<hbm>>)
    return
  }
}

#map = affine_map<(d0, d1) -> (0, 0)>
#map1 = affine_map<(d0, d1) -> (0)>
module attributes {stable_mosaic.version = 14 : i64} {
  func.func @k(%arg0: i32, %arg1: i32, %arg2: memref<6144x768xf32, #tpu.memory_space<hbm>>, %arg3: memref<2048xi32, #tpu.memory_space<hbm>>, %arg4: memref<2048xi32, #tpu.memory_space<hbm>>, %arg5: memref<2048x768xf32, #tpu.memory_space<hbm>>, %arg6: memref<2048x768xf32, #tpu.memory_space<hbm>>, %arg7: memref<64xi32, #tpu.memory_space<vmem>>, %arg8: memref<64xi32, #tpu.memory_space<vmem>>, %arg9: memref<64x768xf32, #tpu.memory_space<vmem>>, %arg10: memref<64x768xf32, #tpu.memory_space<vmem>>, %arg11: memref<!tpu.dma_semaphore, #tpu.memory_space<semaphore_mem>>, %arg12: memref<!tpu.dma_semaphore, #tpu.memory_space<semaphore_mem>>) attributes {dimension_semantics = [#tpu.dimension_semantics<core_parallel>, #tpu.dimension_semantics<subcore_parallel>], iteration_bounds = array<i64: 2, 16>, scalar_prefetch = 0 : i64, scratch_operands = 6 : i64, tpu.core_type = #tpu.core_type<sc_vector_subcore>, window_params = [{transform_indices = #map}, {transform_indices = #map1}, {transform_indices = #map1}, {transform_indices = #map}, {transform_indices = #map}]} {
    %mul3A = arith.constant 2 : i32
    %mul3A_0 = arith.muli %arg1, %mul3A : i32
    %add3A = arith.addi %mul3A_0, %arg0 : i32
    %mul3A_1 = arith.constant 64 : i32
    %mul3A_2 = arith.muli %add3A, %mul3A_1 : i32
    %dma_start3A = tpu.memref_slice %arg3[%mul3A_2] : memref<2048xi32, #tpu.memory_space<hbm>> -> memref<64xi32, #tpu.memory_space<hbm>>
    %dma_start3A_3 = tpu.memref_slice %arg3[%mul3A_2] : memref<2048xi32, #tpu.memory_space<hbm>> -> memref<64xi32, #tpu.memory_space<hbm>>
    tpu.enqueue_dma source(%dma_start3A_3 : memref<64xi32, #tpu.memory_space<hbm>>) target(%arg7 : memref<64xi32, #tpu.memory_space<vmem>>) target_semaphore(%arg11 : memref<!tpu.dma_semaphore, #tpu.memory_space<semaphore_mem>>)
    %dma_start3A_4 = tpu.memref_slice %arg4[%mul3A_2] : memref<2048xi32, #tpu.memory_space<hbm>> -> memref<64xi32, #tpu.memory_space<hbm>>
    %dma_start3A_5 = tpu.memref_slice %arg4[%mul3A_2] : memref<2048xi32, #tpu.memory_space<hbm>> -> memref<64xi32, #tpu.memory_space<hbm>>
    tpu.enqueue_dma source(%dma_start3A_5 : memref<64xi32, #tpu.memory_space<hbm>>) target(%arg8 : memref<64xi32, #tpu.memory_space<vmem>>) target_semaphore(%arg12 : memref<!tpu.dma_semaphore, #tpu.memory_space<semaphore_mem>>)
    %dma_wait3A = tpu.memref_slice %arg3[%mul3A_2] : memref<2048xi32, #tpu.memory_space<hbm>> -> memref<64xi32, #tpu.memory_space<hbm>>
    %dma_wait3A_6 = tpu.memref_slice %arg3[%mul3A_2] : memref<2048xi32, #tpu.memory_space<hbm>> -> memref<64xi32, #tpu.memory_space<hbm>>
    tpu.wait_dma2 semaphore(%arg11 : memref<!tpu.dma_semaphore, #tpu.memory_space<semaphore_mem>>) src(%dma_wait3A_6 : memref<64xi32, #tpu.memory_space<hbm>>) dst(%arg7 : memref<64xi32, #tpu.memory_space<vmem>>)
    %dma_start3A_7 = arith.constant 0 : i32
    %dma_start3A_8 = arith.constant 0 : i32
    %dma_start3A_9 = tpu.memref_slice %arg2[%dma_start3A_7, %dma_start3A_8] : memref<6144x768xf32, #tpu.memory_space<hbm>> -> memref<6144x768xf32, #tpu.memory_space<hbm>>
    tpu.enqueue_indirect_dma source(%dma_start3A_9 : memref<6144x768xf32, #tpu.memory_space<hbm>>) target(%arg9 : memref<64x768xf32, #tpu.memory_space<vmem>>) offsets(%arg7 : memref<64xi32, #tpu.memory_space<vmem>>) semaphore(%arg11 : memref<!tpu.dma_semaphore, #tpu.memory_space<semaphore_mem>>)
    %dma_wait3A_10 = tpu.memref_slice %arg4[%mul3A_2] : memref<2048xi32, #tpu.memory_space<hbm>> -> memref<64xi32, #tpu.memory_space<hbm>>
    %dma_wait3A_11 = tpu.memref_slice %arg4[%mul3A_2] : memref<2048xi32, #tpu.memory_space<hbm>> -> memref<64xi32, #tpu.memory_space<hbm>>
    tpu.wait_dma2 semaphore(%arg12 : memref<!tpu.dma_semaphore, #tpu.memory_space<semaphore_mem>>) src(%dma_wait3A_11 : memref<64xi32, #tpu.memory_space<hbm>>) dst(%arg8 : memref<64xi32, #tpu.memory_space<vmem>>)
    %dma_start3A_12 = arith.constant 0 : i32
    %dma_start3A_13 = arith.constant 0 : i32
    %dma_start3A_14 = tpu.memref_slice %arg2[%dma_start3A_12, %dma_start3A_13] : memref<6144x768xf32, #tpu.memory_space<hbm>> -> memref<6144x768xf32, #tpu.memory_space<hbm>>
    tpu.enqueue_indirect_dma source(%dma_start3A_14 : memref<6144x768xf32, #tpu.memory_space<hbm>>) target(%arg10 : memref<64x768xf32, #tpu.memory_space<vmem>>) offsets(%arg8 : memref<64xi32, #tpu.memory_space<vmem>>) semaphore(%arg12 : memref<!tpu.dma_semaphore, #tpu.memory_space<semaphore_mem>>)
    %dma_wait3A_15 = arith.constant 0 : i32
    %dma_wait3A_16 = arith.constant 0 : i32
    %dma_wait3A_17 = tpu.memref_slice %arg2[%dma_wait3A_15, %dma_wait3A_16] : memref<6144x768xf32, #tpu.memory_space<hbm>> -> memref<6144x768xf32, #tpu.memory_space<hbm>>
    tpu.wait_indirect_dma semaphore(%arg11 : memref<!tpu.dma_semaphore, #tpu.memory_space<semaphore_mem>>) src(%dma_wait3A_17 : memref<6144x768xf32, #tpu.memory_space<hbm>>) dst(%arg9 : memref<64x768xf32, #tpu.memory_space<vmem>>)
    %dma_start3A_18 = arith.constant 0 : i32
    %dma_start3A_19 = tpu.memref_slice %arg5[%mul3A_2, %dma_start3A_18] : memref<2048x768xf32, #tpu.memory_space<hbm>> -> memref<64x768xf32, #tpu.memory_space<hbm>>
    %dma_start3A_20 = arith.constant 0 : i32
    %dma_start3A_21 = tpu.memref_slice %arg5[%mul3A_2, %dma_start3A_20] : memref<2048x768xf32, #tpu.memory_space<hbm>> -> memref<64x768xf32, #tpu.memory_space<hbm>>
    tpu.enqueue_dma source(%arg9 : memref<64x768xf32, #tpu.memory_space<vmem>>) target(%dma_start3A_21 : memref<64x768xf32, #tpu.memory_space<hbm>>) target_semaphore(%arg11 : memref<!tpu.dma_semaphore, #tpu.memory_space<semaphore_mem>>)
    %dma_wait3A_22 = arith.constant 0 : i32
    %dma_wait3A_23 = arith.constant 0 : i32
    %dma_wait3A_24 = tpu.memref_slice %arg2[%dma_wait3A_22, %dma_wait3A_23] : memref<6144x768xf32, #tpu.memory_space<hbm>> -> memref<6144x768xf32, #tpu.memory_space<hbm>>
    tpu.wait_indirect_dma semaphore(%arg12 : memref<!tpu.dma_semaphore, #tpu.memory_space<semaphore_mem>>) src(%dma_wait3A_24 : memref<6144x768xf32, #tpu.memory_space<hbm>>) dst(%arg10 : memref<64x768xf32, #tpu.memory_space<vmem>>)
    %dma_start3A_25 = arith.constant 0 : i32
    %dma_start3A_26 = tpu.memref_slice %arg6[%mul3A_2, %dma_start3A_25] : memref<2048x768xf32, #tpu.memory_space<hbm>> -> memref<64x768xf32, #tpu.memory_space<hbm>>
    %dma_start3A_27 = arith.constant 0 : i32
    %dma_start3A_28 = tpu.memref_slice %arg6[%mul3A_2, %dma_start3A_27] : memref<2048x768xf32, #tpu.memory_space<hbm>> -> memref<64x768xf32, #tpu.memory_space<hbm>>
    tpu.enqueue_dma source(%arg10 : memref<64x768xf32, #tpu.memory_space<vmem>>) target(%dma_start3A_28 : memref<64x768xf32, #tpu.memory_space<hbm>>) target_semaphore(%arg12 : memref<!tpu.dma_semaphore, #tpu.memory_space<semaphore_mem>>)
    %dma_wait3A_29 = arith.constant 0 : i32
    %dma_wait3A_30 = tpu.memref_slice %arg5[%mul3A_2, %dma_wait3A_29] : memref<2048x768xf32, #tpu.memory_space<hbm>> -> memref<64x768xf32, #tpu.memory_space<hbm>>
    %dma_wait3A_31 = arith.constant 0 : i32
    %dma_wait3A_32 = tpu.memref_slice %arg5[%mul3A_2, %dma_wait3A_31] : memref<2048x768xf32, #tpu.memory_space<hbm>> -> memref<64x768xf32, #tpu.memory_space<hbm>>
    tpu.wait_dma2 semaphore(%arg11 : memref<!tpu.dma_semaphore, #tpu.memory_space<semaphore_mem>>) src(%arg9 : memref<64x768xf32, #tpu.memory_space<vmem>>) dst(%dma_wait3A_32 : memref<64x768xf32, #tpu.memory_space<hbm>>)
    %dma_wait3A_33 = arith.constant 0 : i32
    %dma_wait3A_34 = tpu.memref_slice %arg6[%mul3A_2, %dma_wait3A_33] : memref<2048x768xf32, #tpu.memory_space<hbm>> -> memref<64x768xf32, #tpu.memory_space<hbm>>
    %dma_wait3A_35 = arith.constant 0 : i32
    %dma_wait3A_36 = tpu.memref_slice %arg6[%mul3A_2, %dma_wait3A_35] : memref<2048x768xf32, #tpu.memory_space<hbm>> -> memref<64x768xf32, #tpu.memory_space<hbm>>
    tpu.wait_dma2 semaphore(%arg12 : memref<!tpu.dma_semaphore, #tpu.memory_space<semaphore_mem>>) src(%arg10 : memref<64x768xf32, #tpu.memory_space<vmem>>) dst(%dma_wait3A_36 : memref<64x768xf32, #tpu.memory_space<hbm>>)
    return
  }
}

module attributes {stable_mosaic.version = 14 : i64} {
  func.func @_ffn_body(%arg0: i32, %arg1: memref<128x4xi32, #tpu.memory_space<smem>>, %arg2: memref<256x768xf32, #tpu.memory_space<vmem>>, %arg3: memref<8x3072x768xf32, #tpu.memory_space<hbm>>, %arg4: memref<8x3072x768xf32, #tpu.memory_space<hbm>>, %arg5: memref<8x768x3072xf32, #tpu.memory_space<hbm>>, %arg6: memref<256x768xf32, #tpu.memory_space<vmem>>, %arg7: memref<2x3072x768xf32, #tpu.memory_space<vmem>>, %arg8: memref<2x3072x768xf32, #tpu.memory_space<vmem>>, %arg9: memref<2x768x3072xf32, #tpu.memory_space<vmem>>, %arg10: memref<2x3x!tpu.dma_semaphore, #tpu.memory_space<semaphore_mem>>) attributes {dimension_semantics = [#tpu.dimension_semantics<arbitrary>], iteration_bounds = array<i64: 24>, scalar_prefetch = 1 : i64, scratch_operands = 4 : i64, tpu.core_type = #tpu.core_type<tc>, window_params = [{transform_indices = @transform_0, window_bounds = array<i64: 256, 768>}, {}, {}, {}, {transform_indices = @transform_4, window_bounds = array<i64: 256, 768>}]} {
    %get3A = arith.constant 0 : index
    %get3A_0 = arith.constant 3 : index
    %get3A_1 = memref.load %arg1[%get3A, %get3A_0] : memref<128x4xi32, #tpu.memory_space<smem>>
    %get3A_2 = arith.constant 1 : index
    %get3A_3 = arith.constant 3 : index
    %get3A_4 = memref.load %arg1[%get3A_2, %get3A_3] : memref<128x4xi32, #tpu.memory_space<smem>>
    %eq3A = arith.constant 0 : i32
    %eq3A_5 = arith.cmpi eq, %arg0, %eq3A : i32
    %convert_element_type3A = arith.extui %eq3A_5 : i1 to i32
    %cond3A = arith.constant 0 : i32
    %cond3A_6 = arith.cmpi ne, %convert_element_type3A, %cond3A : i32
    scf.if %cond3A_6 {
      %get3A_10 = arith.constant 0 : index
      %get3A_11 = arith.constant 2 : index
      %get3A_12 = memref.load %arg1[%get3A_10, %get3A_11] : memref<128x4xi32, #tpu.memory_space<smem>>
      %dma_start3A = arith.constant 0 : i32
      %dma_start3A_13 = arith.constant 0 : i32
      %dma_start3A_14 = arith.constant 0 : i32
      %dma_start3A_15 = tpu.memref_slice %arg10[%dma_start3A_13, %dma_start3A_14] : memref<2x3x!tpu.dma_semaphore, #tpu.memory_space<semaphore_mem>> -> memref<1x1x!tpu.dma_semaphore, #tpu.memory_space<semaphore_mem>>
      %dma_start3A_16 = tpu.memref_squeeze %dma_start3A_15 : memref<1x1x!tpu.dma_semaphore, #tpu.memory_space<semaphore_mem>> -> memref<!tpu.dma_semaphore, #tpu.memory_space<semaphore_mem>>
      %dma_start3A_17 = arith.constant 0 : i32
      %dma_start3A_18 = arith.constant 0 : i32
      %dma_start3A_19 = tpu.memref_slice %arg7[%dma_start3A, %dma_start3A_17, %dma_start3A_18] : memref<2x3072x768xf32, #tpu.memory_space<vmem>> -> memref<1x3072x768xf32, #tpu.memory_space<vmem>>
      %dma_start3A_20 = tpu.memref_squeeze %dma_start3A_19 : memref<1x3072x768xf32, #tpu.memory_space<vmem>> -> memref<3072x768xf32, #tpu.memory_space<vmem>>
      %dma_start3A_21 = arith.constant 0 : i32
      %dma_start3A_22 = arith.constant 0 : i32
      %dma_start3A_23 = tpu.memref_slice %arg3[%get3A_12, %dma_start3A_21, %dma_start3A_22] : memref<8x3072x768xf32, #tpu.memory_space<hbm>> -> memref<1x3072x768xf32, #tpu.memory_space<hbm>>
      %dma_start3A_24 = tpu.memref_squeeze %dma_start3A_23 : memref<1x3072x768xf32, #tpu.memory_space<hbm>> -> memref<3072x768xf32, #tpu.memory_space<hbm>>
      tpu.enqueue_dma source(%dma_start3A_24 : memref<3072x768xf32, #tpu.memory_space<hbm>>) target(%dma_start3A_20 : memref<3072x768xf32, #tpu.memory_space<vmem>>) target_semaphore(%dma_start3A_16 : memref<!tpu.dma_semaphore, #tpu.memory_space<semaphore_mem>>)
      %dma_start3A_25 = arith.constant 0 : i32
      %dma_start3A_26 = arith.constant 0 : i32
      %dma_start3A_27 = arith.constant 1 : i32
      %dma_start3A_28 = tpu.memref_slice %arg10[%dma_start3A_26, %dma_start3A_27] : memref<2x3x!tpu.dma_semaphore, #tpu.memory_space<semaphore_mem>> -> memref<1x1x!tpu.dma_semaphore, #tpu.memory_space<semaphore_mem>>
      %dma_start3A_29 = tpu.memref_squeeze %dma_start3A_28 : memref<1x1x!tpu.dma_semaphore, #tpu.memory_space<semaphore_mem>> -> memref<!tpu.dma_semaphore, #tpu.memory_space<semaphore_mem>>
      %dma_start3A_30 = arith.constant 0 : i32
      %dma_start3A_31 = arith.constant 0 : i32
      %dma_start3A_32 = tpu.memref_slice %arg8[%dma_start3A_25, %dma_start3A_30, %dma_start3A_31] : memref<2x3072x768xf32, #tpu.memory_space<vmem>> -> memref<1x3072x768xf32, #tpu.memory_space<vmem>>
      %dma_start3A_33 = tpu.memref_squeeze %dma_start3A_32 : memref<1x3072x768xf32, #tpu.memory_space<vmem>> -> memref<3072x768xf32, #tpu.memory_space<vmem>>
      %dma_start3A_34 = arith.constant 0 : i32
      %dma_start3A_35 = arith.constant 0 : i32
      %dma_start3A_36 = tpu.memref_slice %arg4[%get3A_12, %dma_start3A_34, %dma_start3A_35] : memref<8x3072x768xf32, #tpu.memory_space<hbm>> -> memref<1x3072x768xf32, #tpu.memory_space<hbm>>
      %dma_start3A_37 = tpu.memref_squeeze %dma_start3A_36 : memref<1x3072x768xf32, #tpu.memory_space<hbm>> -> memref<3072x768xf32, #tpu.memory_space<hbm>>
      tpu.enqueue_dma source(%dma_start3A_37 : memref<3072x768xf32, #tpu.memory_space<hbm>>) target(%dma_start3A_33 : memref<3072x768xf32, #tpu.memory_space<vmem>>) target_semaphore(%dma_start3A_29 : memref<!tpu.dma_semaphore, #tpu.memory_space<semaphore_mem>>)
      %dma_start3A_38 = arith.constant 0 : i32
      %dma_start3A_39 = arith.constant 0 : i32
      %dma_start3A_40 = arith.constant 2 : i32
      %dma_start3A_41 = tpu.memref_slice %arg10[%dma_start3A_39, %dma_start3A_40] : memref<2x3x!tpu.dma_semaphore, #tpu.memory_space<semaphore_mem>> -> memref<1x1x!tpu.dma_semaphore, #tpu.memory_space<semaphore_mem>>
      %dma_start3A_42 = tpu.memref_squeeze %dma_start3A_41 : memref<1x1x!tpu.dma_semaphore, #tpu.memory_space<semaphore_mem>> -> memref<!tpu.dma_semaphore, #tpu.memory_space<semaphore_mem>>
      %dma_start3A_43 = arith.constant 0 : i32
      %dma_start3A_44 = arith.constant 0 : i32
      %dma_start3A_45 = tpu.memref_slice %arg9[%dma_start3A_38, %dma_start3A_43, %dma_start3A_44] : memref<2x768x3072xf32, #tpu.memory_space<vmem>> -> memref<1x768x3072xf32, #tpu.memory_space<vmem>>
      %dma_start3A_46 = tpu.memref_squeeze %dma_start3A_45 : memref<1x768x3072xf32, #tpu.memory_space<vmem>> -> memref<768x3072xf32, #tpu.memory_space<vmem>>
      %dma_start3A_47 = arith.constant 0 : i32
      %dma_start3A_48 = arith.constant 0 : i32
      %dma_start3A_49 = tpu.memref_slice %arg5[%get3A_12, %dma_start3A_47, %dma_start3A_48] : memref<8x768x3072xf32, #tpu.memory_space<hbm>> -> memref<1x768x3072xf32, #tpu.memory_space<hbm>>
      %dma_start3A_50 = tpu.memref_squeeze %dma_start3A_49 : memref<1x768x3072xf32, #tpu.memory_space<hbm>> -> memref<768x3072xf32, #tpu.memory_space<hbm>>
      tpu.enqueue_dma source(%dma_start3A_50 : memref<768x3072xf32, #tpu.memory_space<hbm>>) target(%dma_start3A_46 : memref<768x3072xf32, #tpu.memory_space<vmem>>) target_semaphore(%dma_start3A_42 : memref<!tpu.dma_semaphore, #tpu.memory_space<semaphore_mem>>)
    } else {
    }
    %lt3A = arith.cmpi slt, %arg0, %get3A_1 : i32
    %convert_element_type3A_7 = arith.extui %lt3A : i1 to i32
    %cond3A_8 = arith.constant 0 : i32
    %cond3A_9 = arith.cmpi ne, %convert_element_type3A_7, %cond3A_8 : i32
    scf.if %cond3A_9 {
      %get3A_10 = arith.index_cast %arg0 : i32 to index
      %get3A_11 = arith.constant 1 : index
      %get3A_12 = memref.load %arg1[%get3A_10, %get3A_11] : memref<128x4xi32, #tpu.memory_space<smem>>
      %rem3A = arith.constant 2 : i32
      %rem3A_13 = arith.remsi %get3A_12, %rem3A : i32
      %eq3A_14 = arith.constant 0 : i32
      %eq3A_15 = arith.cmpi eq, %arg0, %eq3A_14 : i32
      %sub3A = arith.constant 1 : i32
      %sub3A_16 = arith.subi %arg0, %sub3A : i32
      %max3A = arith.constant 0 : i32
      %max3A_17 = arith.maxsi %sub3A_16, %max3A : i32
      %get3A_18 = arith.index_cast %max3A_17 : i32 to index
      %get3A_19 = arith.constant 0 : index
      %get3A_20 = memref.load %arg1[%get3A_18, %get3A_19] : memref<128x4xi32, #tpu.memory_space<smem>>
      %get3A_21 = arith.index_cast %arg0 : i32 to index
      %get3A_22 = arith.constant 0 : index
      %get3A_23 = memref.load %arg1[%get3A_21, %get3A_22] : memref<128x4xi32, #tpu.memory_space<smem>>
      %ne3A = arith.cmpi ne, %get3A_20, %get3A_23 : i32
      %or3A = arith.ori %eq3A_15, %ne3A : i1
      %convert_element_type3A_24 = arith.extui %or3A : i1 to i32
      %cond3A_25 = arith.constant 0 : i32
      %cond3A_26 = arith.cmpi ne, %convert_element_type3A_24, %cond3A_25 : i32
      scf.if %cond3A_26 {
        %dma_wait3A = arith.constant 0 : i32
        %dma_wait3A_59 = arith.constant 0 : i32
        %dma_wait3A_60 = tpu.memref_slice %arg10[%rem3A_13, %dma_wait3A_59] : memref<2x3x!tpu.dma_semaphore, #tpu.memory_space<semaphore_mem>> -> memref<1x1x!tpu.dma_semaphore, #tpu.memory_space<semaphore_mem>>
        %dma_wait3A_61 = tpu.memref_squeeze %dma_wait3A_60 : memref<1x1x!tpu.dma_semaphore, #tpu.memory_space<semaphore_mem>> -> memref<!tpu.dma_semaphore, #tpu.memory_space<semaphore_mem>>
        %dma_wait3A_62 = arith.constant 0 : i32
        %dma_wait3A_63 = arith.constant 0 : i32
        %dma_wait3A_64 = tpu.memref_slice %arg7[%rem3A_13, %dma_wait3A_62, %dma_wait3A_63] : memref<2x3072x768xf32, #tpu.memory_space<vmem>> -> memref<1x3072x768xf32, #tpu.memory_space<vmem>>
        %dma_wait3A_65 = tpu.memref_squeeze %dma_wait3A_64 : memref<1x3072x768xf32, #tpu.memory_space<vmem>> -> memref<3072x768xf32, #tpu.memory_space<vmem>>
        %dma_wait3A_66 = arith.constant 0 : i32
        %dma_wait3A_67 = arith.constant 0 : i32
        %dma_wait3A_68 = tpu.memref_slice %arg3[%dma_wait3A, %dma_wait3A_66, %dma_wait3A_67] : memref<8x3072x768xf32, #tpu.memory_space<hbm>> -> memref<1x3072x768xf32, #tpu.memory_space<hbm>>
        %dma_wait3A_69 = tpu.memref_squeeze %dma_wait3A_68 : memref<1x3072x768xf32, #tpu.memory_space<hbm>> -> memref<3072x768xf32, #tpu.memory_space<hbm>>
        tpu.wait_dma2 semaphore(%dma_wait3A_61 : memref<!tpu.dma_semaphore, #tpu.memory_space<semaphore_mem>>) src(%dma_wait3A_69 : memref<3072x768xf32, #tpu.memory_space<hbm>>) dst(%dma_wait3A_65 : memref<3072x768xf32, #tpu.memory_space<vmem>>)
        %dma_wait3A_70 = arith.constant 0 : i32
        %dma_wait3A_71 = arith.constant 1 : i32
        %dma_wait3A_72 = tpu.memref_slice %arg10[%rem3A_13, %dma_wait3A_71] : memref<2x3x!tpu.dma_semaphore, #tpu.memory_space<semaphore_mem>> -> memref<1x1x!tpu.dma_semaphore, #tpu.memory_space<semaphore_mem>>
        %dma_wait3A_73 = tpu.memref_squeeze %dma_wait3A_72 : memref<1x1x!tpu.dma_semaphore, #tpu.memory_space<semaphore_mem>> -> memref<!tpu.dma_semaphore, #tpu.memory_space<semaphore_mem>>
        %dma_wait3A_74 = arith.constant 0 : i32
        %dma_wait3A_75 = arith.constant 0 : i32
        %dma_wait3A_76 = tpu.memref_slice %arg8[%rem3A_13, %dma_wait3A_74, %dma_wait3A_75] : memref<2x3072x768xf32, #tpu.memory_space<vmem>> -> memref<1x3072x768xf32, #tpu.memory_space<vmem>>
        %dma_wait3A_77 = tpu.memref_squeeze %dma_wait3A_76 : memref<1x3072x768xf32, #tpu.memory_space<vmem>> -> memref<3072x768xf32, #tpu.memory_space<vmem>>
        %dma_wait3A_78 = arith.constant 0 : i32
        %dma_wait3A_79 = arith.constant 0 : i32
        %dma_wait3A_80 = tpu.memref_slice %arg4[%dma_wait3A_70, %dma_wait3A_78, %dma_wait3A_79] : memref<8x3072x768xf32, #tpu.memory_space<hbm>> -> memref<1x3072x768xf32, #tpu.memory_space<hbm>>
        %dma_wait3A_81 = tpu.memref_squeeze %dma_wait3A_80 : memref<1x3072x768xf32, #tpu.memory_space<hbm>> -> memref<3072x768xf32, #tpu.memory_space<hbm>>
        tpu.wait_dma2 semaphore(%dma_wait3A_73 : memref<!tpu.dma_semaphore, #tpu.memory_space<semaphore_mem>>) src(%dma_wait3A_81 : memref<3072x768xf32, #tpu.memory_space<hbm>>) dst(%dma_wait3A_77 : memref<3072x768xf32, #tpu.memory_space<vmem>>)
        %dma_wait3A_82 = arith.constant 0 : i32
        %dma_wait3A_83 = arith.constant 2 : i32
        %dma_wait3A_84 = tpu.memref_slice %arg10[%rem3A_13, %dma_wait3A_83] : memref<2x3x!tpu.dma_semaphore, #tpu.memory_space<semaphore_mem>> -> memref<1x1x!tpu.dma_semaphore, #tpu.memory_space<semaphore_mem>>
        %dma_wait3A_85 = tpu.memref_squeeze %dma_wait3A_84 : memref<1x1x!tpu.dma_semaphore, #tpu.memory_space<semaphore_mem>> -> memref<!tpu.dma_semaphore, #tpu.memory_space<semaphore_mem>>
        %dma_wait3A_86 = arith.constant 0 : i32
        %dma_wait3A_87 = arith.constant 0 : i32
        %dma_wait3A_88 = tpu.memref_slice %arg9[%rem3A_13, %dma_wait3A_86, %dma_wait3A_87] : memref<2x768x3072xf32, #tpu.memory_space<vmem>> -> memref<1x768x3072xf32, #tpu.memory_space<vmem>>
        %dma_wait3A_89 = tpu.memref_squeeze %dma_wait3A_88 : memref<1x768x3072xf32, #tpu.memory_space<vmem>> -> memref<768x3072xf32, #tpu.memory_space<vmem>>
        %dma_wait3A_90 = arith.constant 0 : i32
        %dma_wait3A_91 = arith.constant 0 : i32
        %dma_wait3A_92 = tpu.memref_slice %arg5[%dma_wait3A_82, %dma_wait3A_90, %dma_wait3A_91] : memref<8x768x3072xf32, #tpu.memory_space<hbm>> -> memref<1x768x3072xf32, #tpu.memory_space<hbm>>
        %dma_wait3A_93 = tpu.memref_squeeze %dma_wait3A_92 : memref<1x768x3072xf32, #tpu.memory_space<hbm>> -> memref<768x3072xf32, #tpu.memory_space<hbm>>
        tpu.wait_dma2 semaphore(%dma_wait3A_85 : memref<!tpu.dma_semaphore, #tpu.memory_space<semaphore_mem>>) src(%dma_wait3A_93 : memref<768x3072xf32, #tpu.memory_space<hbm>>) dst(%dma_wait3A_89 : memref<768x3072xf32, #tpu.memory_space<vmem>>)
        %add3A_94 = arith.constant 1 : i32
        %add3A_95 = arith.addi %get3A_12, %add3A_94 : i32
        %lt3A_96 = arith.cmpi slt, %add3A_95, %get3A_4 : i32
        %convert_element_type3A_97 = arith.extui %lt3A_96 : i1 to i32
        %cond3A_98 = arith.constant 0 : i32
        %cond3A_99 = arith.cmpi ne, %convert_element_type3A_97, %cond3A_98 : i32
        scf.if %cond3A_99 {
          %add3A_100 = arith.constant 1 : i32
          %add3A_101 = arith.addi %get3A_12, %add3A_100 : i32
          %add3A_102 = arith.constant 1 : i32
          %add3A_103 = arith.addi %get3A_12, %add3A_102 : i32
          %rem3A_104 = arith.constant 2 : i32
          %rem3A_105 = arith.remsi %add3A_103, %rem3A_104 : i32
          %get3A_106 = arith.index_cast %add3A_101 : i32 to index
          %get3A_107 = arith.constant 2 : index
          %get3A_108 = memref.load %arg1[%get3A_106, %get3A_107] : memref<128x4xi32, #tpu.memory_space<smem>>
          %dma_start3A = arith.constant 0 : i32
          %dma_start3A_109 = tpu.memref_slice %arg10[%rem3A_105, %dma_start3A] : memref<2x3x!tpu.dma_semaphore, #tpu.memory_space<semaphore_mem>> -> memref<1x1x!tpu.dma_semaphore, #tpu.memory_space<semaphore_mem>>
          %dma_start3A_110 = tpu.memref_squeeze %dma_start3A_109 : memref<1x1x!tpu.dma_semaphore, #tpu.memory_space<semaphore_mem>> -> memref<!tpu.dma_semaphore, #tpu.memory_space<semaphore_mem>>
          %dma_start3A_111 = arith.constant 0 : i32
          %dma_start3A_112 = arith.constant 0 : i32
          %dma_start3A_113 = tpu.memref_slice %arg7[%rem3A_105, %dma_start3A_111, %dma_start3A_112] : memref<2x3072x768xf32, #tpu.memory_space<vmem>> -> memref<1x3072x768xf32, #tpu.memory_space<vmem>>
          %dma_start3A_114 = tpu.memref_squeeze %dma_start3A_113 : memref<1x3072x768xf32, #tpu.memory_space<vmem>> -> memref<3072x768xf32, #tpu.memory_space<vmem>>
          %dma_start3A_115 = arith.constant 0 : i32
          %dma_start3A_116 = arith.constant 0 : i32
          %dma_start3A_117 = tpu.memref_slice %arg3[%get3A_108, %dma_start3A_115, %dma_start3A_116] : memref<8x3072x768xf32, #tpu.memory_space<hbm>> -> memref<1x3072x768xf32, #tpu.memory_space<hbm>>
          %dma_start3A_118 = tpu.memref_squeeze %dma_start3A_117 : memref<1x3072x768xf32, #tpu.memory_space<hbm>> -> memref<3072x768xf32, #tpu.memory_space<hbm>>
          tpu.enqueue_dma source(%dma_start3A_118 : memref<3072x768xf32, #tpu.memory_space<hbm>>) target(%dma_start3A_114 : memref<3072x768xf32, #tpu.memory_space<vmem>>) target_semaphore(%dma_start3A_110 : memref<!tpu.dma_semaphore, #tpu.memory_space<semaphore_mem>>)
          %dma_start3A_119 = arith.constant 1 : i32
          %dma_start3A_120 = tpu.memref_slice %arg10[%rem3A_105, %dma_start3A_119] : memref<2x3x!tpu.dma_semaphore, #tpu.memory_space<semaphore_mem>> -> memref<1x1x!tpu.dma_semaphore, #tpu.memory_space<semaphore_mem>>
          %dma_start3A_121 = tpu.memref_squeeze %dma_start3A_120 : memref<1x1x!tpu.dma_semaphore, #tpu.memory_space<semaphore_mem>> -> memref<!tpu.dma_semaphore, #tpu.memory_space<semaphore_mem>>
          %dma_start3A_122 = arith.constant 0 : i32
          %dma_start3A_123 = arith.constant 0 : i32
          %dma_start3A_124 = tpu.memref_slice %arg8[%rem3A_105, %dma_start3A_122, %dma_start3A_123] : memref<2x3072x768xf32, #tpu.memory_space<vmem>> -> memref<1x3072x768xf32, #tpu.memory_space<vmem>>
          %dma_start3A_125 = tpu.memref_squeeze %dma_start3A_124 : memref<1x3072x768xf32, #tpu.memory_space<vmem>> -> memref<3072x768xf32, #tpu.memory_space<vmem>>
          %dma_start3A_126 = arith.constant 0 : i32
          %dma_start3A_127 = arith.constant 0 : i32
          %dma_start3A_128 = tpu.memref_slice %arg4[%get3A_108, %dma_start3A_126, %dma_start3A_127] : memref<8x3072x768xf32, #tpu.memory_space<hbm>> -> memref<1x3072x768xf32, #tpu.memory_space<hbm>>
          %dma_start3A_129 = tpu.memref_squeeze %dma_start3A_128 : memref<1x3072x768xf32, #tpu.memory_space<hbm>> -> memref<3072x768xf32, #tpu.memory_space<hbm>>
          tpu.enqueue_dma source(%dma_start3A_129 : memref<3072x768xf32, #tpu.memory_space<hbm>>) target(%dma_start3A_125 : memref<3072x768xf32, #tpu.memory_space<vmem>>) target_semaphore(%dma_start3A_121 : memref<!tpu.dma_semaphore, #tpu.memory_space<semaphore_mem>>)
          %dma_start3A_130 = arith.constant 2 : i32
          %dma_start3A_131 = tpu.memref_slice %arg10[%rem3A_105, %dma_start3A_130] : memref<2x3x!tpu.dma_semaphore, #tpu.memory_space<semaphore_mem>> -> memref<1x1x!tpu.dma_semaphore, #tpu.memory_space<semaphore_mem>>
          %dma_start3A_132 = tpu.memref_squeeze %dma_start3A_131 : memref<1x1x!tpu.dma_semaphore, #tpu.memory_space<semaphore_mem>> -> memref<!tpu.dma_semaphore, #tpu.memory_space<semaphore_mem>>
          %dma_start3A_133 = arith.constant 0 : i32
          %dma_start3A_134 = arith.constant 0 : i32
          %dma_start3A_135 = tpu.memref_slice %arg9[%rem3A_105, %dma_start3A_133, %dma_start3A_134] : memref<2x768x3072xf32, #tpu.memory_space<vmem>> -> memref<1x768x3072xf32, #tpu.memory_space<vmem>>
          %dma_start3A_136 = tpu.memref_squeeze %dma_start3A_135 : memref<1x768x3072xf32, #tpu.memory_space<vmem>> -> memref<768x3072xf32, #tpu.memory_space<vmem>>
          %dma_start3A_137 = arith.constant 0 : i32
          %dma_start3A_138 = arith.constant 0 : i32
          %dma_start3A_139 = tpu.memref_slice %arg5[%get3A_108, %dma_start3A_137, %dma_start3A_138] : memref<8x768x3072xf32, #tpu.memory_space<hbm>> -> memref<1x768x3072xf32, #tpu.memory_space<hbm>>
          %dma_start3A_140 = tpu.memref_squeeze %dma_start3A_139 : memref<1x768x3072xf32, #tpu.memory_space<hbm>> -> memref<768x3072xf32, #tpu.memory_space<hbm>>
          tpu.enqueue_dma source(%dma_start3A_140 : memref<768x3072xf32, #tpu.memory_space<hbm>>) target(%dma_start3A_136 : memref<768x3072xf32, #tpu.memory_space<vmem>>) target_semaphore(%dma_start3A_132 : memref<!tpu.dma_semaphore, #tpu.memory_space<semaphore_mem>>)
        } else {
        }
      } else {
      }
      %get3A_27 = arith.constant 0 : index
      %get3A_28 = arith.constant 0 : index
      %get3A_29 = vector.load %arg2[%get3A_27, %get3A_28] : memref<256x768xf32, #tpu.memory_space<vmem>>, vector<256x768xf32>
      %get3A_30 = arith.index_cast %rem3A_13 : i32 to index
      %get3A_31 = arith.constant 0 : index
      %get3A_32 = arith.constant 0 : index
      %get3A_33 = vector.load %arg7[%get3A_30, %get3A_31, %get3A_32] : memref<2x3072x768xf32, #tpu.memory_space<vmem>>, vector<1x3072x768xf32>
      %get3A_34 = vector.shape_cast %get3A_33 : vector<1x3072x768xf32> to vector<3072x768xf32>
      %dot_general3A = arith.constant dense<0.000000e+00> : vector<256x3072xf32>
      %dot_general3A_35 = tpu.matmul %get3A_29, %get3A_34, %dot_general3A {dimension_numbers = #tpu.dot_dimension_numbers<[1], [1], [0], [0], [0, 0, 1, 0], [], []>, transpose_lhs_hint = false} : vector<256x768xf32>, vector<3072x768xf32>, vector<256x3072xf32> -> vector<256x3072xf32>
      %get3A_36 = arith.index_cast %rem3A_13 : i32 to index
      %get3A_37 = arith.constant 0 : index
      %get3A_38 = arith.constant 0 : index
      %get3A_39 = vector.load %arg8[%get3A_36, %get3A_37, %get3A_38] : memref<2x3072x768xf32, #tpu.memory_space<vmem>>, vector<1x3072x768xf32>
      %get3A_40 = vector.shape_cast %get3A_39 : vector<1x3072x768xf32> to vector<3072x768xf32>
      %dot_general3A_41 = arith.constant dense<0.000000e+00> : vector<256x3072xf32>
      %dot_general3A_42 = tpu.matmul %get3A_29, %get3A_40, %dot_general3A_41 {dimension_numbers = #tpu.dot_dimension_numbers<[1], [1], [0], [0], [0, 0, 1, 0], [], []>, transpose_lhs_hint = false} : vector<256x768xf32>, vector<3072x768xf32>, vector<256x3072xf32> -> vector<256x3072xf32>
      %neg3A = arith.constant 0.000000e+00 : f32
      %neg3A_43 = vector.broadcast %neg3A : f32 to vector<256x3072xf32>
      %neg3A_44 = arith.subf %neg3A_43, %dot_general3A_35 : vector<256x3072xf32>
      %exp3A = math.exp %neg3A_44 : vector<256x3072xf32>
      %add3A = arith.constant 1.000000e+00 : f32
      %add3A_45 = vector.broadcast %add3A : f32 to vector<256x3072xf32>
      %add3A_46 = arith.addf %add3A_45, %exp3A : vector<256x3072xf32>
      %div3A = arith.constant 1.000000e+00 : f32
      %div3A_47 = vector.broadcast %div3A : f32 to vector<256x3072xf32>
      %div3A_48 = arith.divf %div3A_47, %add3A_46 : vector<256x3072xf32>
      %mul3A = arith.mulf %dot_general3A_35, %div3A_48 : vector<256x3072xf32>
      %mul3A_49 = arith.mulf %mul3A, %dot_general3A_42 : vector<256x3072xf32>
      %get3A_50 = arith.index_cast %rem3A_13 : i32 to index
      %get3A_51 = arith.constant 0 : index
      %get3A_52 = arith.constant 0 : index
      %get3A_53 = vector.load %arg9[%get3A_50, %get3A_51, %get3A_52] : memref<2x768x3072xf32, #tpu.memory_space<vmem>>, vector<1x768x3072xf32>
      %get3A_54 = vector.shape_cast %get3A_53 : vector<1x768x3072xf32> to vector<768x3072xf32>
      %dot_general3A_55 = arith.constant dense<0.000000e+00> : vector<256x768xf32>
      %dot_general3A_56 = tpu.matmul %mul3A_49, %get3A_54, %dot_general3A_55 {dimension_numbers = #tpu.dot_dimension_numbers<[1], [1], [0], [0], [0, 0, 1, 0], [], []>, transpose_lhs_hint = false} : vector<256x3072xf32>, vector<768x3072xf32>, vector<256x768xf32> -> vector<256x768xf32>
      %swap3A = arith.constant 0 : index
      %swap3A_57 = arith.constant 0 : index
      %swap3A_58 = vector.load %arg6[%swap3A, %swap3A_57] : memref<256x768xf32, #tpu.memory_space<vmem>>, vector<256x768xf32>
      tpu.vector_store %arg6[%swap3A, %swap3A_57], %dot_general3A_56 {strides = array<i32>} : memref<256x768xf32, #tpu.memory_space<vmem>>, vector<256x768xf32>,
    } else {
    }
    return
  }
  func.func @transform_0(%arg0: i32, %arg1: memref<128x4xi32, #tpu.memory_space<smem>>) -> (i32, i32) {
    %c0_i32 = arith.constant 0 : i32
    %c0_i32_0 = arith.constant 0 : i32
    return %arg0, %c0_i32 : i32, i32
  }
  func.func @transform_4(%arg0: i32, %arg1: memref<128x4xi32, #tpu.memory_space<smem>>) -> (i32, i32) {
    %c0_i32 = arith.constant 0 : i32
    %c0_i32_0 = arith.constant 0 : i32
    return %arg0, %c0_i32 : i32, i32
  }
}

module attributes {stable_mosaic.version = 14 : i64} {
  func.func @_router_body(%arg0: memref<2048x768xf32, #tpu.memory_space<vmem>>, %arg1: memref<8x768xf32, #tpu.memory_space<vmem>>, %arg2: memref<2048x8xf32, #tpu.memory_space<vmem>>, %arg3: memref<1x8xf32, #tpu.memory_space<vmem>>, %arg4: memref<1x1xf32, #tpu.memory_space<vmem>>, %arg5: memref<1x1xf32, #tpu.memory_space<vmem>>, %arg6: memref<2048x1xf32, #tpu.memory_space<vmem>>, %arg7: memref<2048x1xf32, #tpu.memory_space<vmem>>, %arg8: memref<2048x1xi32, #tpu.memory_space<vmem>>, %arg9: memref<2048x1xi32, #tpu.memory_space<vmem>>, %arg10: memref<128x4xi32, #tpu.memory_space<vmem>>) attributes {dimension_semantics = [], scalar_prefetch = 0 : i64, scratch_operands = 0 : i64, tpu.core_type = #tpu.core_type<tc>} {
    %get3A = arith.constant 0 : index
    %get3A_0 = arith.constant 0 : index
    %get3A_1 = vector.load %arg0[%get3A, %get3A_0] : memref<2048x768xf32, #tpu.memory_space<vmem>>, vector<2048x768xf32>
    %get3A_2 = arith.constant 0 : index
    %get3A_3 = arith.constant 0 : index
    %get3A_4 = vector.load %arg1[%get3A_2, %get3A_3] : memref<8x768xf32, #tpu.memory_space<vmem>>, vector<8x768xf32>
    %dot_general3A = arith.constant dense<0.000000e+00> : vector<2048x8xf32>
    %dot_general3A_5 = tpu.matmul %get3A_1, %get3A_4, %dot_general3A {dimension_numbers = #tpu.dot_dimension_numbers<[1], [1], [0], [0], [0, 0, 1, 0], [], []>, transpose_lhs_hint = false} : vector<2048x768xf32>, vector<8x768xf32>, vector<2048x8xf32> -> vector<2048x8xf32>
    %iota3A = tpu.iota {dimensions = array<i32: 1>} : vector<2048x8xi32>
    %reduce_max3A = arith.constant dense<0xFF800000> : vector<2048xf32>
    %reduce_max3A_6 = vector.multi_reduction <maximumf>, %dot_general3A_5, %reduce_max3A [1] : vector<2048x8xf32> to vector<2048xf32>
    %broadcast_in_dim3A = vector.shape_cast %reduce_max3A_6 : vector<2048xf32> to vector<2048x1xf32>
    %sub3A = vector.broadcast %broadcast_in_dim3A : vector<2048x1xf32> to vector<2048x8xf32>
    %sub3A_7 = arith.subf %dot_general3A_5, %sub3A : vector<2048x8xf32>
    %exp3A = math.exp %sub3A_7 : vector<2048x8xf32>
    %reduce_sum3A = arith.constant dense<0.000000e+00> : vector<2048xf32>
    %reduce_sum3A_8 = vector.multi_reduction <add>, %exp3A, %reduce_sum3A [1] : vector<2048x8xf32> to vector<2048xf32>
    %broadcast_in_dim3A_9 = vector.shape_cast %reduce_sum3A_8 : vector<2048xf32> to vector<2048x1xf32>
    %div3A = vector.broadcast %broadcast_in_dim3A_9 : vector<2048x1xf32> to vector<2048x8xf32>
    %div3A_10 = arith.divf %exp3A, %div3A : vector<2048x8xf32>
    %swap3A = arith.constant 0 : index
    %swap3A_11 = arith.constant 0 : index
    %swap3A_12 = vector.load %arg2[%swap3A, %swap3A_11] : memref<2048x8xf32, #tpu.memory_space<vmem>>, vector<2048x8xf32>
    tpu.vector_store %arg2[%swap3A, %swap3A_11], %div3A_10 {strides = array<i32>} : memref<2048x8xf32, #tpu.memory_space<vmem>>, vector<2048x8xf32>,
    %reduce_sum3A_13 = arith.constant dense<0.000000e+00> : vector<8xf32>
    %reduce_sum3A_14 = vector.multi_reduction <add>, %div3A_10, %reduce_sum3A_13 [0] : vector<2048x8xf32> to vector<8xf32>
    %broadcast_in_dim3A_15 = vector.shape_cast %reduce_sum3A_14 : vector<8xf32> to vector<1x8xf32>
    %mul3A = arith.constant 4.8828125E-4 : f32
    %mul3A_16 = vector.broadcast %mul3A : f32 to vector<1x8xf32>
    %mul3A_17 = arith.mulf %broadcast_in_dim3A_15, %mul3A_16 : vector<1x8xf32>
    %swap3A_18 = arith.constant 0 : index
    %swap3A_19 = arith.constant 0 : index
    %swap3A_20 = vector.load %arg3[%swap3A_18, %swap3A_19] : memref<1x8xf32, #tpu.memory_space<vmem>>, vector<1x8xf32>
    tpu.vector_store %arg3[%swap3A_18, %swap3A_19], %mul3A_17 {strides = array<i32>} : memref<1x8xf32, #tpu.memory_space<vmem>>, vector<1x8xf32>,
    %mul3A_21 = arith.mulf %mul3A_17, %mul3A_17 : vector<1x8xf32>
    %reduce_sum3A_22 = vector.shape_cast %mul3A_21 : vector<1x8xf32> to vector<1x1x8xf32>
    %reduce_sum3A_23 = arith.constant dense<0.000000e+00> : vector<1xf32>
    %reduce_sum3A_24 = vector.multi_reduction <add>, %reduce_sum3A_22, %reduce_sum3A_23 [1, 2] : vector<1x1x8xf32> to vector<1xf32>
    %reduce_sum3A_25 = vector.shape_cast %reduce_sum3A_24 : vector<1xf32> to vector<1x1x1xf32>
    %reduce_sum3A_26 = vector.extract %reduce_sum3A_25[0, 0, 0] : f32 from vector<1x1x1xf32>
    %mul3A_27 = arith.constant 8.000000e+00 : f32
    %mul3A_28 = arith.mulf %reduce_sum3A_26, %mul3A_27 : f32
    %reshape3A = vector.broadcast %mul3A_28 : f32 to vector<1x1xf32>
    %swap3A_29 = arith.constant 0 : index
    %swap3A_30 = arith.constant 0 : index
    %swap3A_31 = vector.load %arg4[%swap3A_29, %swap3A_30] : memref<1x1xf32, #tpu.memory_space<vmem>>, vector<1x1xf32>
    tpu.vector_store %arg4[%swap3A_29, %swap3A_30], %reshape3A {strides = array<i32>} : memref<1x1xf32, #tpu.memory_space<vmem>>, vector<1x1xf32>,
    %log3A = math.log %broadcast_in_dim3A_9 : vector<2048x1xf32>
    %add3A = arith.addf %broadcast_in_dim3A, %log3A : vector<2048x1xf32>
    %mul3A_32 = arith.mulf %add3A, %add3A : vector<2048x1xf32>
    %reduce_sum3A_33 = vector.shape_cast %mul3A_32 : vector<2048x1xf32> to vector<1x2048x1xf32>
    %reduce_sum3A_34 = arith.constant dense<0.000000e+00> : vector<1xf32>
    %reduce_sum3A_35 = vector.multi_reduction <add>, %reduce_sum3A_33, %reduce_sum3A_34 [1, 2] : vector<1x2048x1xf32> to vector<1xf32>
    %reduce_sum3A_36 = vector.shape_cast %reduce_sum3A_35 : vector<1xf32> to vector<1x1x1xf32>
    %reduce_sum3A_37 = vector.extract %reduce_sum3A_36[0, 0, 0] : f32 from vector<1x1x1xf32>
    %mul3A_38 = arith.constant 4.8828125E-4 : f32
    %mul3A_39 = arith.mulf %reduce_sum3A_37, %mul3A_38 : f32
    %reshape3A_40 = vector.broadcast %mul3A_39 : f32 to vector<1x1xf32>
    %swap3A_41 = arith.constant 0 : index
    %swap3A_42 = arith.constant 0 : index
    %swap3A_43 = vector.load %arg5[%swap3A_41, %swap3A_42] : memref<1x1xf32, #tpu.memory_space<vmem>>, vector<1x1xf32>
    tpu.vector_store %arg5[%swap3A_41, %swap3A_42], %reshape3A_40 {strides = array<i32>} : memref<1x1xf32, #tpu.memory_space<vmem>>, vector<1x1xf32>,
    %eq3A = vector.broadcast %broadcast_in_dim3A : vector<2048x1xf32> to vector<2048x8xf32>
    %eq3A_44 = arith.cmpf oeq, %dot_general3A_5, %eq3A : vector<2048x8xf32>
    %jit3A = arith.constant 8 : i32
    %broadcast_in_dim3A_45 = vector.broadcast %jit3A : i32 to vector<2048x8xi32>
    %select_n3A = arith.select %eq3A_44, %iota3A, %broadcast_in_dim3A_45 : vector<2048x8xi1>, vector<2048x8xi32>
    %reduce_min3A = arith.constant dense<2147483647> : vector<2048xi32>
    %reduce_min3A_46 = vector.multi_reduction <minsi>, %select_n3A, %reduce_min3A [1] : vector<2048x8xi32> to vector<2048xi32>
    %broadcast_in_dim3A_47 = vector.shape_cast %reduce_min3A_46 : vector<2048xi32> to vector<2048x1xi32>
    %eq3A_48 = vector.broadcast %broadcast_in_dim3A_47 : vector<2048x1xi32> to vector<2048x8xi32>
    %eq3A_49 = arith.cmpi eq, %iota3A, %eq3A_48 : vector<2048x8xi32>
    %jit3A_50 = arith.constant -1.000000e+30 : f32
    %broadcast_in_dim3A_51 = vector.broadcast %jit3A_50 : f32 to vector<2048x8xf32>
    %select_n3A_52 = arith.select %eq3A_49, %broadcast_in_dim3A_51, %dot_general3A_5 : vector<2048x8xi1>, vector<2048x8xf32>
    %reduce_max3A_53 = arith.constant dense<0xFF800000> : vector<2048xf32>
    %reduce_max3A_54 = vector.multi_reduction <maximumf>, %select_n3A_52, %reduce_max3A_53 [1] : vector<2048x8xf32> to vector<2048xf32>
    %broadcast_in_dim3A_55 = vector.shape_cast %reduce_max3A_54 : vector<2048xf32> to vector<2048x1xf32>
    %eq3A_56 = vector.broadcast %broadcast_in_dim3A_55 : vector<2048x1xf32> to vector<2048x8xf32>
    %eq3A_57 = arith.cmpf oeq, %select_n3A_52, %eq3A_56 : vector<2048x8xf32>
    %jit3A_58 = arith.constant 8 : i32
    %broadcast_in_dim3A_59 = vector.broadcast %jit3A_58 : i32 to vector<2048x8xi32>
    %select_n3A_60 = arith.select %eq3A_57, %iota3A, %broadcast_in_dim3A_59 : vector<2048x8xi1>, vector<2048x8xi32>
    %reduce_min3A_61 = arith.constant dense<2147483647> : vector<2048xi32>
    %reduce_min3A_62 = vector.multi_reduction <minsi>, %select_n3A_60, %reduce_min3A_61 [1] : vector<2048x8xi32> to vector<2048xi32>
    %broadcast_in_dim3A_63 = vector.shape_cast %reduce_min3A_62 : vector<2048xi32> to vector<2048x1xi32>
    %sub3A_64 = arith.subf %broadcast_in_dim3A_55, %broadcast_in_dim3A : vector<2048x1xf32>
    %exp3A_65 = math.exp %sub3A_64 : vector<2048x1xf32>
    %add3A_66 = arith.constant 1.000000e+00 : f32
    %add3A_67 = vector.broadcast %add3A_66 : f32 to vector<2048x1xf32>
    %add3A_68 = arith.addf %add3A_67, %exp3A_65 : vector<2048x1xf32>
    %div3A_69 = arith.constant 1.000000e+00 : f32
    %div3A_70 = vector.broadcast %div3A_69 : f32 to vector<2048x1xf32>
    %div3A_71 = arith.divf %div3A_70, %add3A_68 : vector<2048x1xf32>
    %swap3A_72 = arith.constant 0 : index
    %swap3A_73 = arith.constant 0 : index
    %swap3A_74 = vector.load %arg6[%swap3A_72, %swap3A_73] : memref<2048x1xf32, #tpu.memory_space<vmem>>, vector<2048x1xf32>
    tpu.vector_store %arg6[%swap3A_72, %swap3A_73], %div3A_71 {strides = array<i32>} : memref<2048x1xf32, #tpu.memory_space<vmem>>, vector<2048x1xf32>,
    %add3A_75 = arith.constant 1.000000e+00 : f32
    %add3A_76 = vector.broadcast %add3A_75 : f32 to vector<2048x1xf32>
    %add3A_77 = arith.addf %add3A_76, %exp3A_65 : vector<2048x1xf32>
    %div3A_78 = arith.divf %exp3A_65, %add3A_77 : vector<2048x1xf32>
    %swap3A_79 = arith.constant 0 : index
    %swap3A_80 = arith.constant 0 : index
    %swap3A_81 = vector.load %arg7[%swap3A_79, %swap3A_80] : memref<2048x1xf32, #tpu.memory_space<vmem>>, vector<2048x1xf32>
    tpu.vector_store %arg7[%swap3A_79, %swap3A_80], %div3A_78 {strides = array<i32>} : memref<2048x1xf32, #tpu.memory_space<vmem>>, vector<2048x1xf32>,
    %eq3A_82 = vector.broadcast %broadcast_in_dim3A_47 : vector<2048x1xi32> to vector<2048x8xi32>
    %eq3A_83 = arith.cmpi eq, %iota3A, %eq3A_82 : vector<2048x8xi32>
    %convert_element_type3A = arith.extui %eq3A_83 : vector<2048x8xi1> to vector<2048x8xi32>
    %convert_element_type3A_84 = arith.sitofp %convert_element_type3A : vector<2048x8xi32> to vector<2048x8xf32>
    %eq3A_85 = vector.broadcast %broadcast_in_dim3A_63 : vector<2048x1xi32> to vector<2048x8xi32>
    %eq3A_86 = arith.cmpi eq, %iota3A, %eq3A_85 : vector<2048x8xi32>
    %convert_element_type3A_87 = arith.extui %eq3A_86 : vector<2048x8xi1> to vector<2048x8xi32>
    %convert_element_type3A_88 = arith.sitofp %convert_element_type3A_87 : vector<2048x8xi32> to vector<2048x8xf32>
    %add3A_89 = arith.addf %convert_element_type3A_84, %convert_element_type3A_88 : vector<2048x8xf32>
    %broadcast_in_dim3A_90 = arith.constant 0.000000e+00 : f32
    %broadcast_in_dim3A_91 = vector.broadcast %broadcast_in_dim3A_90 : f32 to vector<1x8xf32>
    %slice3A = vector.extract_strided_slice %add3A_89 {offsets = [0, 0], sizes = [2047, 8], strides = [1, 1]} : vector<2048x8xf32> to vector<2047x8xf32>
    %concatenate3A = tpu.concatenate %broadcast_in_dim3A_91, %slice3A in 0 : vector<1x8xf32>, vector<2047x8xf32> -> vector<2048x8xf32>
    %add3A_92 = arith.addf %add3A_89, %concatenate3A : vector<2048x8xf32>
    %broadcast_in_dim3A_93 = arith.constant 0.000000e+00 : f32
    %broadcast_in_dim3A_94 = vector.broadcast %broadcast_in_dim3A_93 : f32 to vector<2x8xf32>
    %slice3A_95 = vector.extract_strided_slice %add3A_92 {offsets = [0, 0], sizes = [2046, 8], strides = [1, 1]} : vector<2048x8xf32> to vector<2046x8xf32>
    %concatenate3A_96 = tpu.concatenate %broadcast_in_dim3A_94, %slice3A_95 in 0 : vector<2x8xf32>, vector<2046x8xf32> -> vector<2048x8xf32>
    %add3A_97 = arith.addf %add3A_92, %concatenate3A_96 : vector<2048x8xf32>
    %broadcast_in_dim3A_98 = arith.constant 0.000000e+00 : f32
    %broadcast_in_dim3A_99 = vector.broadcast %broadcast_in_dim3A_98 : f32 to vector<4x8xf32>
    %slice3A_100 = vector.extract_strided_slice %add3A_97 {offsets = [0, 0], sizes = [2044, 8], strides = [1, 1]} : vector<2048x8xf32> to vector<2044x8xf32>
    %concatenate3A_101 = tpu.concatenate %broadcast_in_dim3A_99, %slice3A_100 in 0 : vector<4x8xf32>, vector<2044x8xf32> -> vector<2048x8xf32>
    %add3A_102 = arith.addf %add3A_97, %concatenate3A_101 : vector<2048x8xf32>
    %broadcast_in_dim3A_103 = arith.constant 0.000000e+00 : f32
    %broadcast_in_dim3A_104 = vector.broadcast %broadcast_in_dim3A_103 : f32 to vector<8x8xf32>
    %slice3A_105 = vector.extract_strided_slice %add3A_102 {offsets = [0, 0], sizes = [2040, 8], strides = [1, 1]} : vector<2048x8xf32> to vector<2040x8xf32>
    %concatenate3A_106 = tpu.concatenate %broadcast_in_dim3A_104, %slice3A_105 in 0 : vector<8x8xf32>, vector<2040x8xf32> -> vector<2048x8xf32>
    %add3A_107 = arith.addf %add3A_102, %concatenate3A_106 : vector<2048x8xf32>
    %broadcast_in_dim3A_108 = arith.constant 0.000000e+00 : f32
    %broadcast_in_dim3A_109 = vector.broadcast %broadcast_in_dim3A_108 : f32 to vector<16x8xf32>
    %slice3A_110 = vector.extract_strided_slice %add3A_107 {offsets = [0, 0], sizes = [2032, 8], strides = [1, 1]} : vector<2048x8xf32> to vector<2032x8xf32>
    %concatenate3A_111 = tpu.concatenate %broadcast_in_dim3A_109, %slice3A_110 in 0 : vector<16x8xf32>, vector<2032x8xf32> -> vector<2048x8xf32>
    %add3A_112 = arith.addf %add3A_107, %concatenate3A_111 : vector<2048x8xf32>
    %broadcast_in_dim3A_113 = arith.constant 0.000000e+00 : f32
    %broadcast_in_dim3A_114 = vector.broadcast %broadcast_in_dim3A_113 : f32 to vector<32x8xf32>
    %slice3A_115 = vector.extract_strided_slice %add3A_112 {offsets = [0, 0], sizes = [2016, 8], strides = [1, 1]} : vector<2048x8xf32> to vector<2016x8xf32>
    %concatenate3A_116 = tpu.concatenate %broadcast_in_dim3A_114, %slice3A_115 in 0 : vector<32x8xf32>, vector<2016x8xf32> -> vector<2048x8xf32>
    %add3A_117 = arith.addf %add3A_112, %concatenate3A_116 : vector<2048x8xf32>
    %broadcast_in_dim3A_118 = arith.constant 0.000000e+00 : f32
    %broadcast_in_dim3A_119 = vector.broadcast %broadcast_in_dim3A_118 : f32 to vector<64x8xf32>
    %slice3A_120 = vector.extract_strided_slice %add3A_117 {offsets = [0, 0], sizes = [1984, 8], strides = [1, 1]} : vector<2048x8xf32> to vector<1984x8xf32>
    %concatenate3A_121 = tpu.concatenate %broadcast_in_dim3A_119, %slice3A_120 in 0 : vector<64x8xf32>, vector<1984x8xf32> -> vector<2048x8xf32>
    %add3A_122 = arith.addf %add3A_117, %concatenate3A_121 : vector<2048x8xf32>
    %broadcast_in_dim3A_123 = arith.constant 0.000000e+00 : f32
    %broadcast_in_dim3A_124 = vector.broadcast %broadcast_in_dim3A_123 : f32 to vector<128x8xf32>
    %slice3A_125 = vector.extract_strided_slice %add3A_122 {offsets = [0, 0], sizes = [1920, 8], strides = [1, 1]} : vector<2048x8xf32> to vector<1920x8xf32>
    %concatenate3A_126 = tpu.concatenate %broadcast_in_dim3A_124, %slice3A_125 in 0 : vector<128x8xf32>, vector<1920x8xf32> -> vector<2048x8xf32>
    %add3A_127 = arith.addf %add3A_122, %concatenate3A_126 : vector<2048x8xf32>
    %broadcast_in_dim3A_128 = arith.constant 0.000000e+00 : f32
    %broadcast_in_dim3A_129 = vector.broadcast %broadcast_in_dim3A_128 : f32 to vector<256x8xf32>
    %slice3A_130 = vector.extract_strided_slice %add3A_127 {offsets = [0, 0], sizes = [1792, 8], strides = [1, 1]} : vector<2048x8xf32> to vector<1792x8xf32>
    %concatenate3A_131 = tpu.concatenate %broadcast_in_dim3A_129, %slice3A_130 in 0 : vector<256x8xf32>, vector<1792x8xf32> -> vector<2048x8xf32>
    %add3A_132 = arith.addf %add3A_127, %concatenate3A_131 : vector<2048x8xf32>
    %broadcast_in_dim3A_133 = arith.constant 0.000000e+00 : f32
    %broadcast_in_dim3A_134 = vector.broadcast %broadcast_in_dim3A_133 : f32 to vector<512x8xf32>
    %slice3A_135 = vector.extract_strided_slice %add3A_132 {offsets = [0, 0], sizes = [1536, 8], strides = [1, 1]} : vector<2048x8xf32> to vector<1536x8xf32>
    %concatenate3A_136 = tpu.concatenate %broadcast_in_dim3A_134, %slice3A_135 in 0 : vector<512x8xf32>, vector<1536x8xf32> -> vector<2048x8xf32>
    %add3A_137 = arith.addf %add3A_132, %concatenate3A_136 : vector<2048x8xf32>
    %broadcast_in_dim3A_138 = arith.constant 0.000000e+00 : f32
    %broadcast_in_dim3A_139 = vector.broadcast %broadcast_in_dim3A_138 : f32 to vector<1024x8xf32>
    %slice3A_140 = vector.extract_strided_slice %add3A_137 {offsets = [0, 0], sizes = [1024, 8], strides = [1, 1]} : vector<2048x8xf32> to vector<1024x8xf32>
    %concatenate3A_141 = tpu.concatenate %broadcast_in_dim3A_139, %slice3A_140 in 0 : vector<1024x8xf32>, vector<1024x8xf32> -> vector<2048x8xf32>
    %add3A_142 = arith.addf %add3A_137, %concatenate3A_141 : vector<2048x8xf32>
    %sub3A_143 = arith.subf %add3A_142, %add3A_89 : vector<2048x8xf32>
    %broadcast_in_dim3A_144 = arith.constant 1.000000e+00 : f32
    %broadcast_in_dim3A_145 = vector.broadcast %broadcast_in_dim3A_144 : f32 to vector<2048x1xf32>
    %dot_general3A_146 = arith.constant dense<0.000000e+00> : vector<8x1xf32>
    %dot_general3A_147 = tpu.matmul %add3A_89, %broadcast_in_dim3A_145, %dot_general3A_146 {dimension_numbers = #tpu.dot_dimension_numbers<[0], [0], [1], [1], [0, 1, 1, 1], [], []>, transpose_lhs_hint = false} : vector<2048x8xf32>, vector<2048x1xf32>, vector<8x1xf32> -> vector<8x1xf32>
    %mul3A_148 = arith.constant 3.906250e-03 : f32
    %mul3A_149 = vector.broadcast %mul3A_148 : f32 to vector<8x1xf32>
    %mul3A_150 = arith.mulf %dot_general3A_147, %mul3A_149 : vector<8x1xf32>
    %ceil3A = math.ceil %mul3A_150 : vector<8x1xf32>
    %mul3A_151 = arith.constant 2.560000e+02 : f32
    %mul3A_152 = vector.broadcast %mul3A_151 : f32 to vector<8x1xf32>
    %mul3A_153 = arith.mulf %ceil3A, %mul3A_152 : vector<8x1xf32>
    %iota3A_154 = tpu.iota {dimensions = array<i32: 0>} : vector<8x8xi32>
    %iota3A_155 = tpu.iota {dimensions = array<i32: 1>} : vector<8x8xi32>
    %gt3A = arith.cmpi sgt, %iota3A_154, %iota3A_155 : vector<8x8xi32>
    %convert_element_type3A_156 = arith.extui %gt3A : vector<8x8xi1> to vector<8x8xi32>
    %convert_element_type3A_157 = arith.sitofp %convert_element_type3A_156 : vector<8x8xi32> to vector<8x8xf32>
    %dot_general3A_158 = arith.constant dense<0.000000e+00> : vector<8x1xf32>
    %dot_general3A_159 = tpu.matmul %convert_element_type3A_157, %mul3A_153, %dot_general3A_158 {dimension_numbers = #tpu.dot_dimension_numbers<[1], [0], [0], [1], [0, 0, 1, 1], [], []>, transpose_lhs_hint = false} : vector<8x8xf32>, vector<8x1xf32>, vector<8x1xf32> -> vector<8x1xf32>
    %dot_general3A_160 = arith.constant dense<0.000000e+00> : vector<2048x1xf32>
    %dot_general3A_161 = tpu.matmul %convert_element_type3A_84, %dot_general3A_159, %dot_general3A_160 {dimension_numbers = #tpu.dot_dimension_numbers<[1], [0], [0], [1], [0, 0, 1, 1], [], []>, transpose_lhs_hint = false} : vector<2048x8xf32>, vector<8x1xf32>, vector<2048x1xf32> -> vector<2048x1xf32>
    %dot_general3A_162 = arith.constant dense<0.000000e+00> : vector<2048x1xf32>
    %dot_general3A_163 = tpu.matmul %convert_element_type3A_88, %dot_general3A_159, %dot_general3A_162 {dimension_numbers = #tpu.dot_dimension_numbers<[1], [0], [0], [1], [0, 0, 1, 1], [], []>, transpose_lhs_hint = false} : vector<2048x8xf32>, vector<8x1xf32>, vector<2048x1xf32> -> vector<2048x1xf32>
    %mul3A_164 = arith.mulf %sub3A_143, %convert_element_type3A_84 : vector<2048x8xf32>
    %reduce_sum3A_165 = arith.constant dense<0.000000e+00> : vector<2048xf32>
    %reduce_sum3A_166 = vector.multi_reduction <add>, %mul3A_164, %reduce_sum3A_165 [1] : vector<2048x8xf32> to vector<2048xf32>
    %broadcast_in_dim3A_167 = vector.shape_cast %reduce_sum3A_166 : vector<2048xf32> to vector<2048x1xf32>
    %add3A_168 = arith.addf %sub3A_143, %convert_element_type3A_84 : vector<2048x8xf32>
    %mul3A_169 = arith.mulf %add3A_168, %convert_element_type3A_88 : vector<2048x8xf32>
    %reduce_sum3A_170 = arith.constant dense<0.000000e+00> : vector<2048xf32>
    %reduce_sum3A_171 = vector.multi_reduction <add>, %mul3A_169, %reduce_sum3A_170 [1] : vector<2048x8xf32> to vector<2048xf32>
    %broadcast_in_dim3A_172 = vector.shape_cast %reduce_sum3A_171 : vector<2048xf32> to vector<2048x1xf32>
    %add3A_173 = arith.addf %dot_general3A_161, %broadcast_in_dim3A_167 : vector<2048x1xf32>
    %convert_element_type3A_174 = arith.fptosi %add3A_173 : vector<2048x1xf32> to vector<2048x1xi32>
    %swap3A_175 = arith.constant 0 : index
    %swap3A_176 = arith.constant 0 : index
    %swap3A_177 = vector.load %arg8[%swap3A_175, %swap3A_176] : memref<2048x1xi32, #tpu.memory_space<vmem>>, vector<2048x1xi32>
    tpu.vector_store %arg8[%swap3A_175, %swap3A_176], %convert_element_type3A_174 {strides = array<i32>} : memref<2048x1xi32, #tpu.memory_space<vmem>>, vector<2048x1xi32>,
    %add3A_178 = arith.addf %dot_general3A_163, %broadcast_in_dim3A_172 : vector<2048x1xf32>
    %convert_element_type3A_179 = arith.fptosi %add3A_178 : vector<2048x1xf32> to vector<2048x1xi32>
    %swap3A_180 = arith.constant 0 : index
    %swap3A_181 = arith.constant 0 : index
    %swap3A_182 = vector.load %arg9[%swap3A_180, %swap3A_181] : memref<2048x1xi32, #tpu.memory_space<vmem>>, vector<2048x1xi32>
    tpu.vector_store %arg9[%swap3A_180, %swap3A_181], %convert_element_type3A_179 {strides = array<i32>} : memref<2048x1xi32, #tpu.memory_space<vmem>>, vector<2048x1xi32>,
    %eq3A_183 = arith.cmpi eq, %iota3A_154, %iota3A_155 : vector<8x8xi32>
    %convert_element_type3A_184 = arith.extui %eq3A_183 : vector<8x8xi1> to vector<8x8xi32>
    %convert_element_type3A_185 = arith.sitofp %convert_element_type3A_184 : vector<8x8xi32> to vector<8x8xf32>
    %add3A_186 = arith.addf %dot_general3A_159, %mul3A_153 : vector<8x1xf32>
    %dot_general3A_187 = arith.constant dense<0.000000e+00> : vector<1x8xf32>
    %dot_general3A_188 = tpu.matmul %add3A_186, %convert_element_type3A_185, %dot_general3A_187 {dimension_numbers = #tpu.dot_dimension_numbers<[0], [0], [1], [1], [0, 1, 1, 1], [], []>, transpose_lhs_hint = false} : vector<8x1xf32>, vector<8x8xf32>, vector<1x8xf32> -> vector<1x8xf32>
    %iota3A_189 = tpu.iota {dimensions = array<i32: 0>} : vector<128x1xi32>
    %convert_element_type3A_190 = arith.sitofp %iota3A_189 : vector<128x1xi32> to vector<128x1xf32>
    %mul3A_191 = arith.constant 2.560000e+02 : f32
    %mul3A_192 = vector.broadcast %mul3A_191 : f32 to vector<128x1xf32>
    %mul3A_193 = arith.mulf %convert_element_type3A_190, %mul3A_192 : vector<128x1xf32>
    %le3A = vector.broadcast %dot_general3A_188 : vector<1x8xf32> to vector<128x8xf32>
    %le3A_194 = vector.broadcast %mul3A_193 : vector<128x1xf32> to vector<128x8xf32>
    %le3A_195 = arith.cmpf ole, %le3A, %le3A_194 : vector<128x8xf32>
    %convert_element_type3A_196 = arith.extui %le3A_195 : vector<128x8xi1> to vector<128x8xi32>
    %reduce_sum3A_197 = arith.constant dense<0> : vector<128xi32>
    %reduce_sum3A_198 = vector.multi_reduction <add>, %convert_element_type3A_196, %reduce_sum3A_197 [1] : vector<128x8xi32> to vector<128xi32>
    %broadcast_in_dim3A_199 = vector.shape_cast %reduce_sum3A_198 : vector<128xi32> to vector<128x1xi32>
    %min3A = arith.constant 7 : i32
    %min3A_200 = vector.broadcast %min3A : i32 to vector<128x1xi32>
    %min3A_201 = arith.minsi %broadcast_in_dim3A_199, %min3A_200 : vector<128x1xi32>
    %slice3A_202 = vector.extract_strided_slice %min3A_201 {offsets = [0, 0], sizes = [1, 1], strides = [1, 1]} : vector<128x1xi32> to vector<1x1xi32>
    %slice3A_203 = vector.extract_strided_slice %min3A_201 {offsets = [0, 0], sizes = [127, 1], strides = [1, 1]} : vector<128x1xi32> to vector<127x1xi32>
    %concatenate3A_204 = tpu.concatenate %slice3A_202, %slice3A_203 in 0 : vector<1x1xi32>, vector<127x1xi32> -> vector<128x1xi32>
    %ne3A = arith.cmpi ne, %min3A_201, %concatenate3A_204 : vector<128x1xi32>
    %convert_element_type3A_205 = arith.extui %ne3A : vector<128x1xi1> to vector<128x1xi32>
    %broadcast_in_dim3A_206 = arith.constant 0 : i32
    %broadcast_in_dim3A_207 = vector.broadcast %broadcast_in_dim3A_206 : i32 to vector<1x1xi32>
    %slice3A_208 = vector.extract_strided_slice %convert_element_type3A_205 {offsets = [0, 0], sizes = [127, 1], strides = [1, 1]} : vector<128x1xi32> to vector<127x1xi32>
    %concatenate3A_209 = tpu.concatenate %broadcast_in_dim3A_207, %slice3A_208 in 0 : vector<1x1xi32>, vector<127x1xi32> -> vector<128x1xi32>
    %add3A_210 = arith.addi %convert_element_type3A_205, %concatenate3A_209 : vector<128x1xi32>
    %broadcast_in_dim3A_211 = arith.constant 0 : i32
    %broadcast_in_dim3A_212 = vector.broadcast %broadcast_in_dim3A_211 : i32 to vector<2x1xi32>
    %slice3A_213 = vector.extract_strided_slice %add3A_210 {offsets = [0, 0], sizes = [126, 1], strides = [1, 1]} : vector<128x1xi32> to vector<126x1xi32>
    %concatenate3A_214 = tpu.concatenate %broadcast_in_dim3A_212, %slice3A_213 in 0 : vector<2x1xi32>, vector<126x1xi32> -> vector<128x1xi32>
    %add3A_215 = arith.addi %add3A_210, %concatenate3A_214 : vector<128x1xi32>
    %broadcast_in_dim3A_216 = arith.constant 0 : i32
    %broadcast_in_dim3A_217 = vector.broadcast %broadcast_in_dim3A_216 : i32 to vector<4x1xi32>
    %slice3A_218 = vector.extract_strided_slice %add3A_215 {offsets = [0, 0], sizes = [124, 1], strides = [1, 1]} : vector<128x1xi32> to vector<124x1xi32>
    %concatenate3A_219 = tpu.concatenate %broadcast_in_dim3A_217, %slice3A_218 in 0 : vector<4x1xi32>, vector<124x1xi32> -> vector<128x1xi32>
    %add3A_220 = arith.addi %add3A_215, %concatenate3A_219 : vector<128x1xi32>
    %broadcast_in_dim3A_221 = arith.constant 0 : i32
    %broadcast_in_dim3A_222 = vector.broadcast %broadcast_in_dim3A_221 : i32 to vector<8x1xi32>
    %slice3A_223 = vector.extract_strided_slice %add3A_220 {offsets = [0, 0], sizes = [120, 1], strides = [1, 1]} : vector<128x1xi32> to vector<120x1xi32>
    %concatenate3A_224 = tpu.concatenate %broadcast_in_dim3A_222, %slice3A_223 in 0 : vector<8x1xi32>, vector<120x1xi32> -> vector<128x1xi32>
    %add3A_225 = arith.addi %add3A_220, %concatenate3A_224 : vector<128x1xi32>
    %broadcast_in_dim3A_226 = arith.constant 0 : i32
    %broadcast_in_dim3A_227 = vector.broadcast %broadcast_in_dim3A_226 : i32 to vector<16x1xi32>
    %slice3A_228 = vector.extract_strided_slice %add3A_225 {offsets = [0, 0], sizes = [112, 1], strides = [1, 1]} : vector<128x1xi32> to vector<112x1xi32>
    %concatenate3A_229 = tpu.concatenate %broadcast_in_dim3A_227, %slice3A_228 in 0 : vector<16x1xi32>, vector<112x1xi32> -> vector<128x1xi32>
    %add3A_230 = arith.addi %add3A_225, %concatenate3A_229 : vector<128x1xi32>
    %broadcast_in_dim3A_231 = arith.constant 0 : i32
    %broadcast_in_dim3A_232 = vector.broadcast %broadcast_in_dim3A_231 : i32 to vector<32x1xi32>
    %slice3A_233 = vector.extract_strided_slice %add3A_230 {offsets = [0, 0], sizes = [96, 1], strides = [1, 1]} : vector<128x1xi32> to vector<96x1xi32>
    %concatenate3A_234 = tpu.concatenate %broadcast_in_dim3A_232, %slice3A_233 in 0 : vector<32x1xi32>, vector<96x1xi32> -> vector<128x1xi32>
    %add3A_235 = arith.addi %add3A_230, %concatenate3A_234 : vector<128x1xi32>
    %broadcast_in_dim3A_236 = arith.constant 0 : i32
    %broadcast_in_dim3A_237 = vector.broadcast %broadcast_in_dim3A_236 : i32 to vector<64x1xi32>
    %slice3A_238 = vector.extract_strided_slice %add3A_235 {offsets = [0, 0], sizes = [64, 1], strides = [1, 1]} : vector<128x1xi32> to vector<64x1xi32>
    %concatenate3A_239 = tpu.concatenate %broadcast_in_dim3A_237, %slice3A_238 in 0 : vector<64x1xi32>, vector<64x1xi32> -> vector<128x1xi32>
    %add3A_240 = arith.addi %add3A_235, %concatenate3A_239 : vector<128x1xi32>
    %iota3A_241 = tpu.iota {dimensions = array<i32: 0>} : vector<128x128xi32>
    %iota3A_242 = tpu.iota {dimensions = array<i32: 1>} : vector<128x128xi32>
    %eq3A_243 = arith.cmpi eq, %iota3A_241, %iota3A_242 : vector<128x128xi32>
    %convert_element_type3A_244 = arith.extui %eq3A_243 : vector<128x128xi1> to vector<128x128xi32>
    %convert_element_type3A_245 = arith.sitofp %convert_element_type3A_244 : vector<128x128xi32> to vector<128x128xf32>
    %convert_element_type3A_246 = arith.sitofp %add3A_240 : vector<128x1xi32> to vector<128x1xf32>
    %dot_general3A_247 = arith.constant dense<0.000000e+00> : vector<1x128xf32>
    %dot_general3A_248 = tpu.matmul %convert_element_type3A_246, %convert_element_type3A_245, %dot_general3A_247 {dimension_numbers = #tpu.dot_dimension_numbers<[0], [0], [1], [1], [0, 1, 1, 1], [], []>, transpose_lhs_hint = false} : vector<128x1xf32>, vector<128x128xf32>, vector<1x128xf32> -> vector<1x128xf32>
    %convert_element_type3A_249 = arith.sitofp %min3A_201 : vector<128x1xi32> to vector<128x1xf32>
    %dot_general3A_250 = arith.constant dense<0.000000e+00> : vector<1x128xf32>
    %dot_general3A_251 = tpu.matmul %convert_element_type3A_249, %convert_element_type3A_245, %dot_general3A_250 {dimension_numbers = #tpu.dot_dimension_numbers<[0], [0], [1], [1], [0, 1, 1, 1], [], []>, transpose_lhs_hint = false} : vector<128x1xf32>, vector<128x128xf32>, vector<1x128xf32> -> vector<1x128xf32>
    %convert_element_type3A_252 = arith.sitofp %iota3A_189 : vector<128x1xi32> to vector<128x1xf32>
    %eq3A_253 = vector.broadcast %convert_element_type3A_252 : vector<128x1xf32> to vector<128x128xf32>
    %eq3A_254 = vector.broadcast %dot_general3A_248 : vector<1x128xf32> to vector<128x128xf32>
    %eq3A_255 = arith.cmpf oeq, %eq3A_253, %eq3A_254 : vector<128x128xf32>
    %jit3A_256 = arith.constant 9.900000e+01 : f32
    %broadcast_in_dim3A_257 = vector.shape_cast %dot_general3A_251 : vector<1x128xf32> to vector<1x128xf32>
    %broadcast_in_dim3A_258 = vector.broadcast %broadcast_in_dim3A_257 : vector<1x128xf32> to vector<128x128xf32>
    %broadcast_in_dim3A_259 = vector.broadcast %jit3A_256 : f32 to vector<128x128xf32>
    %select_n3A_260 = arith.select %eq3A_255, %broadcast_in_dim3A_258, %broadcast_in_dim3A_259 : vector<128x128xi1>, vector<128x128xf32>
    %reduce_min3A_261 = arith.constant dense<0x7F800000> : vector<128xf32>
    %reduce_min3A_262 = vector.multi_reduction <minimumf>, %select_n3A_260, %reduce_min3A_261 [1] : vector<128x128xf32> to vector<128xf32>
    %broadcast_in_dim3A_263 = vector.shape_cast %reduce_min3A_262 : vector<128xf32> to vector<128x1xf32>
    %convert_element_type3A_264 = arith.fptosi %broadcast_in_dim3A_263 : vector<128x1xf32> to vector<128x1xi32>
    %reduce_sum3A_265 = vector.shape_cast %mul3A_153 : vector<8x1xf32> to vector<1x8x1xf32>
    %reduce_sum3A_266 = arith.constant dense<0.000000e+00> : vector<1xf32>
    %reduce_sum3A_267 = vector.multi_reduction <add>, %reduce_sum3A_265, %reduce_sum3A_266 [1, 2] : vector<1x8x1xf32> to vector<1xf32>
    %reduce_sum3A_268 = vector.shape_cast %reduce_sum3A_267 : vector<1xf32> to vector<1x1x1xf32>
    %reduce_sum3A_269 = vector.extract %reduce_sum3A_268[0, 0, 0] : f32 from vector<1x1x1xf32>
    %mul3A_270 = arith.constant 3.906250e-03 : f32
    %mul3A_271 = arith.mulf %reduce_sum3A_269, %mul3A_270 : f32
    %convert_element_type3A_272 = arith.fptosi %mul3A_271 : f32 to i32
    %lt3A = vector.broadcast %convert_element_type3A_272 : i32 to vector<128x1xi32>
    %lt3A_273 = arith.cmpi slt, %iota3A_189, %lt3A : vector<128x1xi32>
    %jit3A_274 = arith.constant 0 : i32
    %broadcast_in_dim3A_275 = vector.broadcast %jit3A_274 : i32 to vector<128x1xi32>
    %select_n3A_276 = arith.select %lt3A_273, %add3A_240, %broadcast_in_dim3A_275 : vector<128x1xi1>, vector<128x1xi32>
    %reduce_max3A_277 = vector.shape_cast %select_n3A_276 : vector<128x1xi32> to vector<1x128x1xi32>
    %reduce_max3A_278 = arith.constant dense<-2147483648> : vector<1xi32>
    %reduce_max3A_279 = vector.multi_reduction <maxsi>, %reduce_max3A_277, %reduce_max3A_278 [1, 2] : vector<1x128x1xi32> to vector<1xi32>
    %reduce_max3A_280 = vector.shape_cast %reduce_max3A_279 : vector<1xi32> to vector<1x1x1xi32>
    %reduce_max3A_281 = vector.extract %reduce_max3A_280[0, 0, 0] : i32 from vector<1x1x1xi32>
    %add3A_282 = arith.constant 1 : i32
    %add3A_283 = arith.addi %reduce_max3A_281, %add3A_282 : i32
    %eq3A_284 = arith.constant 0 : i32
    %eq3A_285 = vector.broadcast %eq3A_284 : i32 to vector<128x1xi32>
    %eq3A_286 = arith.cmpi eq, %iota3A_189, %eq3A_285 : vector<128x1xi32>
    %jit3A_287 = arith.constant 0 : i32
    %broadcast_in_dim3A_288 = vector.broadcast %convert_element_type3A_272 : i32 to vector<128x1xi32>
    %broadcast_in_dim3A_289 = vector.broadcast %jit3A_287 : i32 to vector<128x1xi32>
    %select_n3A_290 = arith.select %eq3A_286, %broadcast_in_dim3A_288, %broadcast_in_dim3A_289 : vector<128x1xi1>, vector<128x1xi32>
    %eq3A_291 = arith.constant 1 : i32
    %eq3A_292 = vector.broadcast %eq3A_291 : i32 to vector<128x1xi32>
    %eq3A_293 = arith.cmpi eq, %iota3A_189, %eq3A_292 : vector<128x1xi32>
    %jit3A_294 = arith.constant 0 : i32
    %broadcast_in_dim3A_295 = vector.broadcast %add3A_283 : i32 to vector<128x1xi32>
    %broadcast_in_dim3A_296 = vector.broadcast %jit3A_294 : i32 to vector<128x1xi32>
    %select_n3A_297 = arith.select %eq3A_293, %broadcast_in_dim3A_295, %broadcast_in_dim3A_296 : vector<128x1xi1>, vector<128x1xi32>
    %add3A_298 = arith.addi %select_n3A_290, %select_n3A_297 : vector<128x1xi32>
    %concatenate3A_299 = tpu.concatenate %min3A_201, %add3A_240, %convert_element_type3A_264, %add3A_298 in 1 : vector<128x1xi32>, vector<128x1xi32>, vector<128x1xi32>, vector<128x1xi32> -> vector<128x4xi32>
    %swap3A_300 = arith.constant 0 : index
    %swap3A_301 = arith.constant 0 : index
    %swap3A_302 = vector.load %arg10[%swap3A_300, %swap3A_301] : memref<128x4xi32, #tpu.memory_space<vmem>>, vector<128x4xi32>
    tpu.vector_store %arg10[%swap3A_300, %swap3A_301], %concatenate3A_299 {strides = array<i32>} : memref<128x4xi32, #tpu.memory_space<vmem>>, vector<128x4xi32>,
    return
  }
}

module attributes {stable_mosaic.version = 14 : i64} {
  func.func @_combine_body(%arg0: memref<2048x768xf32, #tpu.memory_space<vmem>>, %arg1: memref<2048x768xf32, #tpu.memory_space<vmem>>, %arg2: memref<2048x1xf32, #tpu.memory_space<vmem>>, %arg3: memref<2048x1xf32, #tpu.memory_space<vmem>>, %arg4: memref<2048x768xf32, #tpu.memory_space<vmem>>) attributes {dimension_semantics = [], scalar_prefetch = 0 : i64, scratch_operands = 0 : i64, tpu.core_type = #tpu.core_type<tc>} {
    %get3A = arith.constant 0 : index
    %get3A_0 = arith.constant 0 : index
    %get3A_1 = vector.load %arg2[%get3A, %get3A_0] : memref<2048x1xf32, #tpu.memory_space<vmem>>, vector<2048x1xf32>
    %get3A_2 = arith.constant 0 : index
    %get3A_3 = arith.constant 0 : index
    %get3A_4 = vector.load %arg0[%get3A_2, %get3A_3] : memref<2048x768xf32, #tpu.memory_space<vmem>>, vector<2048x768xf32>
    %mul3A = vector.broadcast %get3A_1 : vector<2048x1xf32> to vector<2048x768xf32>
    %mul3A_5 = arith.mulf %mul3A, %get3A_4 : vector<2048x768xf32>
    %get3A_6 = arith.constant 0 : index
    %get3A_7 = arith.constant 0 : index
    %get3A_8 = vector.load %arg3[%get3A_6, %get3A_7] : memref<2048x1xf32, #tpu.memory_space<vmem>>, vector<2048x1xf32>
    %get3A_9 = arith.constant 0 : index
    %get3A_10 = arith.constant 0 : index
    %get3A_11 = vector.load %arg1[%get3A_9, %get3A_10] : memref<2048x768xf32, #tpu.memory_space<vmem>>, vector<2048x768xf32>
    %mul3A_12 = vector.broadcast %get3A_8 : vector<2048x1xf32> to vector<2048x768xf32>
    %mul3A_13 = arith.mulf %mul3A_12, %get3A_11 : vector<2048x768xf32>
    %add3A = arith.addf %mul3A_5, %mul3A_13 : vector<2048x768xf32>
    %swap3A = arith.constant 0 : index
    %swap3A_14 = arith.constant 0 : index
    %swap3A_15 = vector.load %arg4[%swap3A, %swap3A_14] : memref<2048x768xf32, #tpu.memory_space<vmem>>, vector<2048x768xf32>
    tpu.vector_store %arg4[%swap3A, %swap3A_14], %add3A {strides = array<i32>} : memref<2048x768xf32, #tpu.memory_space<vmem>>, vector<2048x768xf32>,
    return
  }
}

</mosaic_0001>

<sc_bundles>
// kernel: kernel.10.cloned.1.call-start
scs
__scs_entry_jumppad:
0x0: {  	(pc) =	sbr.rel $0x88, $3  }
0x1: {  	(tag) =	ssettag $0x0;
	lr =	simm.s32 $0x1  }
0x2: {  	[smem:$0x3F9C] =	sst lr;
	_ =	strace $0xD0000000  }
0x3: {  	_ = 	snop  }
0x4: {  	_ = 	snop  }
0x5: {  	_ = 	snop  }
0x6: {  	_ = 	snop  }
0x7: {  	_ = 	snop  }
__scs_overlays_trampoline_lowered:
0x8: {  	[smem:$0x3FAB] =	sst s0  }
0x9: {  	[smem:$0x3FAC] =	sst s1  }
0xa: {  	[smem:$0x3FAD] =	sst s2  }
0xb: {  	[smem:$0x3FAE] =	sst s3  }
0xc: {  	[smem:$0x3FAF] =	sst s4  }
0xd: {  	[smem:$0x3FB0] =	sst s5  }
0xe: {  	[smem:$0x3FB1] =	sst s6  }
0xf: {  	[smem:$0x3FB2] =	sst s7  }
0x10: {  	[smem:$0x3FB3] =	sst s8  }
0x11: {  	[smem:$0x3FB4] =	sst s9;
	s0 =	simm.s32 @!p0 $0x0  }
0x12: {  	s1 =	sld [smem:$0x3F9A];
	s0 =	simm.s32 @p0 $0x1  }
0x13: {  	[smem:$0x3FB5] =	sst s0;
	s0 =	simm.s32 @!p1 $0x0  }
0x14: {  	s2 =	sld [smem:$0x3F99];
	s0 =	simm.s32 @p1 $0x1  }
0x15: {  	[smem:$0x3FB6] =	sst s0;
	s0 =	simm.s32 @!p2 $0x0  }
0x16: {  	s3 =	sld [smem:$0x3FDB];
	s0 =	simm.s32 @p2 $0x1  }
0x17: {  	s4 =	simm.s32 $0x1BF5;
	[smem:$0x3FB8] =	sst s0  }
0x18: {  	s0 =	sld [smem:$0x3F9B];
	_ =	swait.ge [sflag:s4], $0x0  }
0x19: {  	s7 =	sld [smem:$0x3F9C]  }
0x1a: {  	s8 =	sadd.s32 $0xFFFFE003, lr  }
0x1b: {  	s9 =	sadd.s32 $0xFFFFFEF7, lr;
	s5 =	simm.s32 $0xFFFFFFFF;
	p2 =	slt.u32 s8, $0xFFFFF086  }
0x1c: {  	p1 =	slt.u32 s9, $0xF7A;
	s5 =	simm.s32 @!p2 $0x0  }
0x1d: {  	s5 =	simm.s32 @p1 $0x1;
	p0 =	seq.s32 s7, s2  }
0x1e: {  	s7 =	smul.u32 @!p0 $0xF7A, s2;
	p2 =	seq.s32 @!p0 s5, $0x0  }
0x1f: {  	s9 =	smul.u32 $0xF7A, s1;
	s8 =	simm.s32 @!p0 $0x1BF5;
	p2 =	por !p2, p0  }
0x20: {  	[sflag:s8] =	ssyncset.s32 @!p0 $0xFFFFF086;
	s6 =	sadd.s32 @!p0 s3, s7;
	s7 =	simm.s32 @!p0 $0x108  }
0x21: {  	s3 =	sadd.s32 s3, s9;
	s6 =	sadd.s32 @!p0 $0x88, s6;
	s7 =	simm.s32 @p2 $0x1082  }
0x22: {  	[simem:s7], [sflag:s8] =	dma.local @!p0 [hbm:s6], $0xF7A  }
0x23: {  	s9 =	sor.u32 $0xD0000000, s2;
	s6 =	simm.s32 $0x108;
	_ =	swait.ge @!p0 [sflag:s8], $0x0  }
0x24: {  	s3 =	sadd.s32 $0x88, s3;
	s6 =	simm.s32 @!p1 $0x1082;
	[sflag:s4] =	ssyncset.s32 $0xFFFFF086  }
0x25: {  	[simem:s6], [sflag:s4] =	dma.local [hbm:s3], $0xF7A  }
0x26: {  	[smem:$0x3F9C] =	sst s1;
	(tag) =	ssettag s2;
	_ =	strace s9  }
0x27: {  	s1 =	sld [smem:$0x3FAC]  }
0x28: {  	s2 =	sld [smem:$0x3FAD]  }
0x29: {  	s4 =	sld [smem:$0x3FAF]  }
0x2a: {  	p0 =	seq.s32 s5, $0x0;
	s5 =	sld [smem:$0x3FB0]  }
0x2b: {  	s6 =	sld [smem:$0x3FB1]  }
0x2c: {  	s7 =	sld [smem:$0x3FB2]  }
0x2d: {  	s3 =	simm.s32 $0x108;
	s8 =	sld [smem:$0x3FB3]  }
0x2e: {  	s3 =	simm.s32 @!p0 $0x1082;
	s9 =	sld [smem:$0x3FB4]  }
0x2f: {  	lr =	sadd.s32 s0, s3;
	s0 =	sld [smem:$0x3FAB]  }
0x30: {  	s3 =	sld [smem:$0x3FAE]  }
0x31: {  	[smem:$0x3FB7] =	sst s10  }
0x32: {  	s10 =	sld [smem:$0x3FB5];
	_ =	sdelay $0x3  }
0x33: {  	p0 =	seq.s32 s10, $0x1;
	s10 =	sld [smem:$0x3FB7];
	_ =	sdelay $0x3  }
0x34: {  	[smem:$0x3FB7] =	sst s10  }
0x35: {  	s10 =	sld [smem:$0x3FB6];
	_ =	sdelay $0x3  }
0x36: {  	p1 =	seq.s32 s10, $0x1;
	s10 =	sld [smem:$0x3FB7];
	_ =	sdelay $0x3  }
0x37: {  	[smem:$0x3FB7] =	sst s10  }
0x38: {  	s10 =	sld [smem:$0x3FB8]  }
0x39: {  	_ = 	snop;
	(pc) =	sbr.ind lr, $3  }
0x3a: {  	_ = 	snop  }
0x3b: {  	_ = 	snop  }
0x3c: {  	p2 =	seq.s32 s10, $0x1;
	s10 =	sld [smem:$0x3FB7]  }
0x3d: {  	_ =	shalt  }
0x3e: {  	_ =	shalt  }
0x3f: {  	_ =	shalt  }
0x40: {  	_ =	shalt  }
0x41: {  	_ =	shalt  }
0x42: {  	_ =	shalt  }
0x43: {  	_ =	shalt  }
0x44: {  	_ =	shalt  }
0x45: {  	_ =	shalt  }
0x46: {  	_ =	shalt  }
0x47: {  	_ =	shalt  }
0x48: {  	_ =	shalt  }
0x49: {  	_ =	shalt  }
0x4a: {  	_ =	shalt  }
0x4b: {  	_ =	shalt  }
0x4c: {  	_ =	shalt  }
0x4d: {  	_ =	shalt  }
0x4e: {  	_ =	shalt  }
0x4f: {  	_ =	shalt  }
0x50: {  	_ =	shalt  }
0x51: {  	_ =	shalt  }
0x52: {  	_ =	shalt  }
0x53: {  	_ =	shalt  }
0x54: {  	_ =	shalt  }
0x55: {  	_ =	shalt  }
0x56: {  	_ =	shalt  }
0x57: {  	_ =	shalt  }
0x58: {  	_ =	shalt  }
0x59: {  	_ =	shalt  }
0x5a: {  	_ =	shalt  }
0x5b: {  	_ =	shalt  }
0x5c: {  	_ =	shalt  }
0x5d: {  	_ =	shalt  }
0x5e: {  	_ =	shalt  }
0x5f: {  	_ =	shalt  }
0x60: {  	_ =	shalt  }
0x61: {  	_ =	shalt  }
0x62: {  	_ =	shalt  }
0x63: {  	_ =	shalt  }
0x64: {  	_ =	shalt  }
0x65: {  	_ =	shalt  }
0x66: {  	_ =	shalt  }
0x67: {  	_ =	shalt  }
0x68: {  	_ =	shalt  }
0x69: {  	_ =	shalt  }
0x6a: {  	_ =	shalt  }
0x6b: {  	_ =	shalt  }
0x6c: {  	_ =	shalt  }
0x6d: {  	_ =	shalt  }
0x6e: {  	_ =	shalt  }
0x6f: {  	_ =	shalt  }
0x70: {  	_ =	shalt  }
0x71: {  	_ =	shalt  }
0x72: {  	_ =	shalt  }
0x73: {  	_ =	shalt  }
0x74: {  	_ =	shalt  }
0x75: {  	_ =	shalt  }
0x76: {  	_ =	shalt  }
0x77: {  	_ =	shalt  }
0x78: {  	_ =	shalt  }
0x79: {  	_ =	shalt  }
0x7a: {  	_ =	shalt  }
0x7b: {  	_ =	shalt  }
0x7c: {  	_ =	shalt  }
0x7d: {  	_ =	shalt  }
0x7e: {  	_ =	shalt  }
0x7f: {  	_ =	shalt  }
0x80: {  	_ =	shalt  }
0x81: {  	_ =	shalt  }
0x82: {  	_ =	shalt  }
0x83: {  	_ =	shalt  }
0x84: {  	_ =	shalt  }
0x85: {  	_ =	shalt  }
0x86: {  	_ =	shalt  }
0x87: {  	_ =	shalt  }
.Lfunc_end0:
.L_simem_size_0:
called_computation.1_lowered:
.L_overlay_start_0:
0x88: {  	s2 =	sld [smem:$0x3FD9]  }
0x89: {  	s3 =	sld [smem:$0x3FFE];
	_ =	sdelay $0x1  }
0x8a: {  	s1 =	srdreg.scid  }
0x8b: {  	s0 =	sand.u32 $0x1, s1  }
0x8c: {  	s14 =	sshll.u32 s0, $0xA;
	s2 =	sadd.s32 s3, s2  }
0x8d: {  	s2 =	sadd.s32 s2, s14  }
0x8e: {  	[smem:$0x3FC3] =	sst s2  }
0x8f: {  	_ = 	snop  }
0x90: {  	s2 =	sld [smem:$0x3FD0];
	_ =	sdelay $0x2  }
0x91: {  	s15 =	simm.s32 $0xA;
	s4 =	simm.s32 $0x10  }
0x92: {  	[smem:s4], [sflag:s15] =	dma.local [hbm:s2], $0x1  }
0x93: {  	_ =	swait.eq [sflag:s15], $0x1  }
0x94: {  	[sflag:s15] =	ssyncset.done $0x0  }
0x95: {  	[sflag:s15] =	ssyncadd.s32 $0xFFFFFFFF  }
0x96: {  	s16 =	sld [smem:$0x10];
	(tm) =	ssettm $0x1  }
0x97: {  	s17 =	sld [smem:$0x3FFB];
	_ =	sdelay $0x3  }
0x98: {  	_ =	strace s17  }
0x99: {  	s3 =	sld [smem:$0x3FFC];
	_ =	sdelay $0x3  }
0x9a: {  	_ =	strace s3  }
0x9b: {  	s3 =	sld [smem:$0x3FFD];
	_ =	sdelay $0x3  }
0x9c: {  	_ =	strace s3  }
0x9d: {  	_ =	strace $0x8FFFFFFF  }
0x9e: {  	s18 =	sld [smem:$0x3FDB];
	_ =	sdelay $0x1  }
0x9f: {  	s19 =	simm.s32 $_scs_section_size  }
0xa0: {  	s5 =	simm.s32 $_size__tile_overlayer_lowered;
	s6 =	simm.s32 $_tile_overlayer_lowered  }
0xa1: {  	s22 =	simm.s32 $0x1BFF;
	s21 =	sshll.u32 s6, $0x1;
	s3 =	sadd.s32 s19, s18  }
0xa2: {  	s7 =	simm.s32 $0x0;
	s20 =	sshll.u32 s5, $0x1;
	s5 =	sadd.s32 s21, s3  }
0xa3: {  	[timem:s7], [sflag:s22] =	dma.local [hbm:s5], s20  }
0xa4: {  	_ =	swait.ge [sflag:s22], s20  }
0xa5: {  	s4 =	ssub.s32 $0x0, s20;
	[sflag:s22] =	ssyncset.done $0x0  }
0xa6: {  	[sflag:s22] =	ssyncadd.s32 s4;
	_ =	sdelay $0x1  }
0xa7: {  	s23 =	simm.s32 $0x1B8B  }
0xa8: {  	_ =	swait.ge [sflag:s23], $0x1  }
0xa9: {  	[sflag:s23] =	ssyncset.done $0x0  }
0xaa: {  	s25 =	simm.s32 $0x1B8E;
	s24 =	sld [smem:$0x3FFE];
	[sflag:s23] =	ssyncadd.s32 $0xFFFFFFFF  }
0xab: {  	s26 =	simm.s32 $execute0_lowered;
	[smem:$0x3FD2] =	sst s25  }
0xac: {  	s5 =	sshll.u32 s26, $0x1;
	_ =	strace $0x80000049;
	[dreg:$0x1] =	wrdreg $0xFFFFFFFF  }
0xad: {  	s28 =	simm.s32 $_size_execute0_lowered;
	s3 =	sadd.s32 s3, s5;
	[dreg:$0x0] =	wrdreg $0x0  }
0xae: {  	s5 =	sshll.u32 s28, $0x1;
	[dreg:$0x2] =	wrdreg s3  }
0xaf: {  	[dreg:$0x3] =	wrdreg s5  }
0xb0: {  	[dreg:$0x4] =	wrdreg $0xC0  }
0xb1: {  	_ =	task [dreg:s7], $0x5FFFF  }
0xb2: {  	[dreg:$0x1] =	wrdreg $0xFFFFFFFF  }
0xb3: {  	[dreg:$0x0] =	wrdreg $0x60  }
0xb4: {  	[dreg:$0x2] =	wrdreg s24  }
0xb5: {  	[dreg:$0x3] =	wrdreg s16  }
0xb6: {  	[dreg:$0x4] =	wrdreg $0x9  }
0xb7: {  	_ =	task.clear_ibuf [dreg:s7], $0x5FFFF;
	_ =	strace $0x90000049  }
0xb8: {  	s29 =	simm.s32 $0x9;
	_ =	strace $0x8000004B  }
0xb9: {  	_ =	swait.ge [sflag:s29], $0x1  }
0xba: {  	[sflag:s29] =	ssyncadd.s32 $0xFFFFFFFF  }
0xbb: {  	_ =	strace $0x9000004B  }
0xbc: {  	_ =	sfence  }
0xbd: {  	s30 =	sld [smem:$0x0];
	_ =	sdelay $0x2  }
0xbe: {  	s31 =	sshll.u32 s1, $0xD;
	s1 =	sshrl.u32 s1, $0x2  }
0xbf: {  	s3 =	sand.u32 $0x4000, s31;
	s1 =	sadd.s32 s1, s30  }
0xc0: {  	s0 =	sor.u32 s3, s0;
	s1 =	sshll.u32 s1, $0x11  }
0xc1: {  	s0 =	sor.u32 s1, s0  }
0xc2: {  	s0 =	sadd.s32 $0x8F2B, s0  }
0xc3: {  	[sflag:s0] =	ssyncadd.remote.s32 $0x1  }
0xc4: {  	_ =	sfence.sel $0xFFFF  }
0xc5: {  	[dreg:$0x0] =	wrdreg $0xFFFFFFFF;
	(pc) =	sbr.abs _section_cstart, $3  }
0xc6: {  	[dreg:$0x1] =	wrdreg $0xFFFFFFFF  }
0xc7: {  	_ =	task.clear_ibuf [dreg:s7], $0x2FFFF;
	_ =	strace $0x9FFFFFFF  }
0xc8: {  	(tm) =	ssettm $0x7FFFFFFF  }
0xc9: {  	_ =	shalt  }
tec
execute0_lowered:
.L_overlay_start_1:
0x0: {  	(tag) =	ssettag $0x1  }
0x1: {  	s2 =	srdreg.scid;
	s1 =	rddreg [dreg:$0x0]  }
0x2: {  	s3 =	rddreg [dreg:$0x1];
	s4 =	sand.u32 $0x1, s2;
	s2 =	simm.s32 $0x0  }
0x3: {  	s23 =	simm.s32 $0x80;
	[smem:$0x7FF] =	sst s2  }
0x4: {  	s24 =	simm.s32 $0x900;
	_ =	strace $0x8000004A;
	[dreg:$0x7] =	wrdreg s23  }
0x5: {  	s25 =	simm.s32 $0x1100;
	[dreg:$0x8] =	wrdreg s24  }
0x6: {  	s0 =	stileid.u32;
	s26 =	simm.s32 $0x1900;
	[dreg:$0x9] =	wrdreg s25  }
0x7: {  	s5 =	sshll.u32 s0, $0x4;
	s0 =	simm.s32 $0x2100;
	[dreg:$0xa] =	wrdreg s26  }
0x8: {  	s8 =	simm.s32 $0x4100;
	[dreg:$0xb] =	wrdreg s0  }
0x9: {  	s9 =	simm.s32 $0x4900;
	[dreg:$0xf] =	wrdreg s8  }
0xa: {  	s10 =	simm.s32 $0x5100;
	[dreg:$0x10] =	wrdreg s9  }
0xb: {  	s11 =	simm.s32 $0x5900;
	[dreg:$0x11] =	wrdreg s10  }
0xc: {  	s12 =	simm.s32 $0x6100;
	s13 =	simm.s32 $0x6900;
	[dreg:$0x12] =	wrdreg s11  }
0xd: {  	s14 =	simm.s32 $0x7100;
	s15 =	simm.s32 $0x7900;
	[dreg:$0x13] =	wrdreg s12  }
0xe: {  	s16 =	simm.s32 $0x8100;
	s17 =	simm.s32 $0x8900;
	[dreg:$0x14] =	wrdreg s13  }
0xf: {  	s18 =	simm.s32 $0x9100;
	s20 =	simm.s32 $0x9900;
	[dreg:$0x15] =	wrdreg s14  }
0x10: {  	s28 =	simm.s32 $0x15900;
	s29 =	simm.s32 $0x16100;
	[dreg:$0x16] =	wrdreg s15  }
0x11: {  	s30 =	simm.s32 $0x16900;
	s31 =	simm.s32 $0x17100;
	[dreg:$0x17] =	wrdreg s16  }
0x12: {  	s6 =	sshll.u32 s4, $0x3;
	s4 =	ssub.s32 $0x2, s4;
	[dreg:$0x18] =	wrdreg s17  }
0x13: {  	s5 =	sor.u32 s6, s5;
	s19 =	sshrl.u32 s4, $0x1;
	[dreg:$0x19] =	wrdreg s18  }
0x14: {  	[dreg:$0x1a] =	wrdreg s20;
	s23 =	simm.s32 $0xB100;
	s24 =	simm.s32 $0xB900  }
0x15: {  	s25 =	simm.s32 $0xC900;
	s8 =	simm.s32 $0x100;
	s26 =	simm.s32 $0xD100  }
0x16: {  	s9 =	simm.s32 $0x2;
	s10 =	simm.s32 $0xC100;
	s13 =	simm.s32 $0xE900  }
0x17: {  	s14 =	simm.s32 $0xF100;
	s15 =	simm.s32 $0xF900;
	[dreg:$0x1d] =	wrdreg s23  }
0x18: {  	s16 =	simm.s32 $0x10100;
	s17 =	simm.s32 $0x10900;
	[dreg:$0x1e] =	wrdreg s24  }
0x19: {  	s18 =	simm.s32 $0x11100;
	s6 =	sadd.s32 s5, s1;
	[dreg:$0x1f] =	wrdreg s25  }
0x1a: {  	s5 =	smul.u32 $0x300, s5;
	[smem:$0x7FD] =	sst s26;
	s7 =	sadd.s32 $0x19A00, s6  }
0x1b: {  	s20 =	simm.s32 $0x12100;
	s6 =	sadd.s32 $0x19C00, s6;
	[dreg:$0x3] =	wrdreg s7  }
0x1c: {  	s23 =	simm.s32 $0x13900;
	[dreg:$0x4] =	wrdreg s6;
	s3 =	sadd.s32 s3, s5  }
0x1d: {  	s21 =	sadd.s32 s5, s1;
	s5 =	simm.s32 $0x2900;
	[dreg:$0x5] =	wrdreg s3  }
0x1e: {  	s24 =	simm.s32 $0x14100;
	s6 =	simm.s32 $0x3100;
	[dreg:$0xc] =	wrdreg s5  }
0x1f: {  	s25 =	simm.s32 $0x14900;
	s7 =	simm.s32 $0x3900;
	[dreg:$0xd] =	wrdreg s6  }
0x20: {  	s26 =	simm.s32 $0x15100;
	s22 =	sadd.s32 $0x19E00, s21;
	[dreg:$0xe] =	wrdreg s7  }
0x21: {  	s3 =	sadd.s32 $0xA9E00, s1;
	s6 =	ssub.s32 s4, s19;
	s21 =	simm.s32 $0xA100  }
0x22: {  	s4 =	sadd.s32 $0xA9F00, s1;
	s5 =	sadd.s32 $0xAA000, s1;
	s7 =	simm.s32 $0x1  }
0x23: {  	v2 =	vlaneseq.u32;
	s19 =	simm.s32 $0x11900;
	s1 =	simm.s32 $0x17900;
	[dreg:$0x6] =	wrdreg s22  }
0x24: {  	vm0 =	vmmov $0xffff;
	v1 =	vshrl.u32 v2, $0x3;
	[dreg:$0x1b] =	wrdreg s21;
	s22 =	simm.s32 $0xA900;
	s6 =	smax.u32 s6, $0x1  }
0x25: {  	v0 =	vand.u32 $0x7, v2;
	v2 =	vor.u32 $0x8, v2;
	v1 =	vmul.u32 $0x8, v1;
	s21 =	simm.s32 $0x12900;
	[dreg:$0x1c] =	wrdreg s22;
	s22 =	simm.s32 $0x13100  }
.LBB2_1:
0x26: {  	s0 =	rddreg [dreg:$0x3]  }
0x27: {  	s11 =	rddreg [dreg:$0x4]  }
0x28: {  	[tilespmem:s2], [sflag:$0x1] =	stream.linear.gather [hbm4b:s0+s2], $0x40, $0x38;
	[tilespmem:$0x18100] =	vst v63  }
0x29: {  	s12 =	rddreg [dreg:$0x7]  }
0x2a: {  	[tilespmem:s12], [sflag:$0x2] =	stream.linear.gather [hbm4b:s11+s2], $0x40, $0x38;
	[tilespmem:$0x18100] =	vst v63  }
0x2b: {  	_ =	swait.ge [sflag:s7], $0x40  }
0x2c: {  	[sflag:s7] =	ssyncset.done $0x0  }
0x2d: {  	[sflag:s7] =	ssyncadd.s32 $0xFFFFFFC0  }
0x2e: {  	v3 =	vld [tilespmem:$0x0];
	_ =	sdelay $0x4  }
0x2f: {  	v4 =	vshrl.u32 v3, $0x3  }
0x30: {  	v4 =	vmul.u32 $0x30, v4  }
0x31: {  	v3 =	vand.u32 $0x7, v3  }
0x32: {  	v3 =	vor.u32 v3, v4  }
0x33: {  	v4 =	vperm.xlane v3, v0;
	_ =	sdelay $0x1  }
0x34: {  	v4 =	vadd.s32 v1, v4;
	_ =	sdelay $0x3  }
0x35: {  	v3 =	vperm.xlane v3, v2  }
0x36: {  	[tilespmem:s8], [sflag:$0x1] =	stream.indirect_vreg.gather [hbm4b:s3+s2], $0x80, v4, vm0, $0xb8;
	[tilespmem:$0x18100] =	vst v63  }
0x37: {  	s12 =	rddreg [dreg:$0x8];
	v3 =	vadd.s32 v1, v3  }
0x38: {  	[tilespmem:s12], [sflag:$0x1] =	stream.indirect_vreg.gather [hbm4b:s4+s2], $0x80, v4, vm0, $0xb8;
	[tilespmem:$0x18100] =	vst v63  }
0x39: {  	s11 =	rddreg [dreg:$0x9]  }
0x3a: {  	[tilespmem:s11], [sflag:$0x1] =	stream.indirect_vreg.gather [hbm4b:s5+s2], $0x80, v4, vm0, $0xb8;
	[tilespmem:$0x18100] =	vst v63  }
0x3b: {  	s12 =	rddreg [dreg:$0xa]  }
0x3c: {  	[tilespmem:s12], [sflag:$0x1] =	stream.indirect_vreg.gather [hbm4b:s3+s2], $0x80, v3, vm0, $0xb8;
	[tilespmem:$0x18100] =	vst v63  }
0x3d: {  	s11 =	rddreg [dreg:$0xb]  }
0x3e: {  	[tilespmem:s11], [sflag:$0x1] =	stream.indirect_vreg.gather [hbm4b:s4+s2], $0x80, v3, vm0, $0xb8;
	[tilespmem:$0x18100] =	vst v63  }
0x3f: {  	s12 =	rddreg [dreg:$0xc]  }
0x40: {  	[tilespmem:s12], [sflag:$0x1] =	stream.indirect_vreg.gather [hbm4b:s5+s2], $0x80, v3, vm0, $0xb8;
	[tilespmem:$0x18100] =	vst v63  }
0x41: {  	v3 =	vld [tilespmem:$0x10];
	_ =	sdelay $0x4  }
0x42: {  	v57 =	vshrl.u32 v3, $0x3  }
0x43: {  	v4 =	vmul.u32 $0x30, v57  }
0x44: {  	v3 =	vand.u32 $0x7, v3  }
0x45: {  	v3 =	vor.u32 v3, v4  }
0x46: {  	v4 =	vperm.xlane v3, v0;
	_ =	sdelay $0x1  }
0x47: {  	v4 =	vadd.s32 v1, v4;
	_ =	sdelay $0x3  }
0x48: {  	s11 =	rddreg [dreg:$0xd];
	v3 =	vperm.xlane v3, v2  }
0x49: {  	[tilespmem:s11], [sflag:$0x1] =	stream.indirect_vreg.gather [hbm4b:s3+s2], $0x80, v4, vm0, $0xb8;
	[tilespmem:$0x18100] =	vst v63  }
0x4a: {  	s12 =	rddreg [dreg:$0xe];
	v3 =	vadd.s32 v1, v3  }
0x4b: {  	[tilespmem:s12], [sflag:$0x1] =	stream.indirect_vreg.gather [hbm4b:s4+s2], $0x80, v4, vm0, $0xb8;
	[tilespmem:$0x18100] =	vst v63  }
0x4c: {  	s0 =	rddreg [dreg:$0xf]  }
0x4d: {  	[tilespmem:s0], [sflag:$0x1] =	stream.indirect_vreg.gather [hbm4b:s5+s2], $0x80, v4, vm0, $0xb8;
	[tilespmem:$0x18100] =	vst v63  }
0x4e: {  	s12 =	rddreg [dreg:$0x10]  }
0x4f: {  	[tilespmem:s12], [sflag:$0x1] =	stream.indirect_vreg.gather [hbm4b:s3+s2], $0x80, v3, vm0, $0xb8;
	[tilespmem:$0x18100] =	vst v63  }
0x50: {  	s0 =	rddreg [dreg:$0x11]  }
0x51: {  	[tilespmem:s0], [sflag:$0x1] =	stream.indirect_vreg.gather [hbm4b:s4+s2], $0x80, v3, vm0, $0xb8;
	[tilespmem:$0x18100] =	vst v63  }
0x52: {  	s12 =	rddreg [dreg:$0x12]  }
0x53: {  	[tilespmem:s12], [sflag:$0x1] =	stream.indirect_vreg.gather [hbm4b:s5+s2], $0x80, v3, vm0, $0xb8;
	[tilespmem:$0x18100] =	vst v63  }
0x54: {  	v3 =	vld [tilespmem:$0x20];
	_ =	sdelay $0x4  }
0x55: {  	v58 =	vshrl.u32 v3, $0x3  }
0x56: {  	v4 =	vmul.u32 $0x30, v58  }
0x57: {  	v3 =	vand.u32 $0x7, v3  }
0x58: {  	v3 =	vor.u32 v3, v4  }
0x59: {  	v4 =	vperm.xlane v3, v0;
	_ =	sdelay $0x1  }
0x5a: {  	v4 =	vadd.s32 v1, v4;
	_ =	sdelay $0x3  }
0x5b: {  	s11 =	rddreg [dreg:$0x13];
	v3 =	vperm.xlane v3, v2  }
0x5c: {  	[tilespmem:s11], [sflag:$0x1] =	stream.indirect_vreg.gather [hbm4b:s3+s2], $0x80, v4, vm0, $0xb8;
	[tilespmem:$0x18100] =	vst v63  }
0x5d: {  	s12 =	rddreg [dreg:$0x14];
	v3 =	vadd.s32 v1, v3  }
0x5e: {  	[tilespmem:s12], [sflag:$0x1] =	stream.indirect_vreg.gather [hbm4b:s4+s2], $0x80, v4, vm0, $0xb8;
	[tilespmem:$0x18100] =	vst v63  }
0x5f: {  	s0 =	rddreg [dreg:$0x15]  }
0x60: {  	[tilespmem:s0], [sflag:$0x1] =	stream.indirect_vreg.gather [hbm4b:s5+s2], $0x80, v4, vm0, $0xb8;
	[tilespmem:$0x18100] =	vst v63  }
0x61: {  	s12 =	rddreg [dreg:$0x16]  }
0x62: {  	[tilespmem:s12], [sflag:$0x1] =	stream.indirect_vreg.gather [hbm4b:s3+s2], $0x80, v3, vm0, $0xb8;
	[tilespmem:$0x18100] =	vst v63  }
0x63: {  	s0 =	rddreg [dreg:$0x17]  }
0x64: {  	[tilespmem:s0], [sflag:$0x1] =	stream.indirect_vreg.gather [hbm4b:s4+s2], $0x80, v3, vm0, $0xb8;
	[tilespmem:$0x18100] =	vst v63  }
0x65: {  	s12 =	rddreg [dreg:$0x18]  }
0x66: {  	[tilespmem:s12], [sflag:$0x1] =	stream.indirect_vreg.gather [hbm4b:s5+s2], $0x80, v3, vm0, $0xb8;
	[tilespmem:$0x18100] =	vst v63  }
0x67: {  	v3 =	vld [tilespmem:$0x30];
	_ =	sdelay $0x4  }
0x68: {  	v59 =	vshrl.u32 v3, $0x3  }
0x69: {  	v4 =	vmul.u32 $0x30, v59  }
0x6a: {  	v3 =	vand.u32 $0x7, v3  }
0x6b: {  	v3 =	vor.u32 v3, v4  }
0x6c: {  	v4 =	vperm.xlane v3, v0;
	_ =	sdelay $0x1  }
0x6d: {  	v4 =	vadd.s32 v1, v4;
	_ =	sdelay $0x3  }
0x6e: {  	s11 =	rddreg [dreg:$0x19];
	v3 =	vperm.xlane v3, v2  }
0x6f: {  	[tilespmem:s11], [sflag:$0x1] =	stream.indirect_vreg.gather [hbm4b:s3+s2], $0x80, v4, vm0, $0xb8;
	[tilespmem:$0x18100] =	vst v63  }
0x70: {  	s12 =	rddreg [dreg:$0x1a];
	v3 =	vadd.s32 v1, v3  }
0x71: {  	[tilespmem:s12], [sflag:$0x1] =	stream.indirect_vreg.gather [hbm4b:s4+s2], $0x80, v4, vm0, $0xb8;
	[tilespmem:$0x18100] =	vst v63  }
0x72: {  	s0 =	rddreg [dreg:$0x1b]  }
0x73: {  	[tilespmem:s0], [sflag:$0x1] =	stream.indirect_vreg.gather [hbm4b:s5+s2], $0x80, v4, vm0, $0xb8;
	[tilespmem:$0x18100] =	vst v63  }
0x74: {  	s12 =	rddreg [dreg:$0x1c]  }
0x75: {  	[tilespmem:s12], [sflag:$0x1] =	stream.indirect_vreg.gather [hbm4b:s3+s2], $0x80, v3, vm0, $0xb8;
	[tilespmem:$0x18100] =	vst v63  }
0x76: {  	s0 =	rddreg [dreg:$0x1d]  }
0x77: {  	[tilespmem:s0], [sflag:$0x1] =	stream.indirect_vreg.gather [hbm4b:s4+s2], $0x80, v3, vm0, $0xb8;
	[tilespmem:$0x18100] =	vst v63  }
0x78: {  	s12 =	rddreg [dreg:$0x1e]  }
0x79: {  	[tilespmem:s12], [sflag:$0x1] =	stream.indirect_vreg.gather [hbm4b:s5+s2], $0x80, v3, vm0, $0xb8;
	[tilespmem:$0x18100] =	vst v63  }
0x7a: {  	_ =	swait.ge [sflag:s9], $0x40  }
0x7b: {  	[sflag:s9] =	ssyncset.done $0x0  }
0x7c: {  	[sflag:s9] =	ssyncadd.s32 $0xFFFFFFC0  }
0x7d: {  	v3 =	vld [tilespmem:$0x80];
	_ =	sdelay $0x4  }
0x7e: {  	v60 =	vshrl.u32 v3, $0x3  }
0x7f: {  	v4 =	vmul.u32 $0x30, v60  }
0x80: {  	v3 =	vand.u32 $0x7, v3  }
0x81: {  	v3 =	vor.u32 v3, v4  }
0x82: {  	v4 =	vperm.xlane v3, v0;
	_ =	sdelay $0x1  }
0x83: {  	v4 =	vadd.s32 v1, v4;
	_ =	sdelay $0x3  }
0x84: {  	s11 =	rddreg [dreg:$0x1f];
	v3 =	vperm.xlane v3, v2  }
0x85: {  	[tilespmem:s10], [sflag:$0x2] =	stream.indirect_vreg.gather [hbm4b:s3+s2], $0x80, v4, vm0, $0xb8;
	[tilespmem:$0x18100] =	vst v63  }
0x86: {  	s12 =	sld [smem:$0x7FD];
	v3 =	vadd.s32 v1, v3  }
0x87: {  	[tilespmem:s11], [sflag:$0x2] =	stream.indirect_vreg.gather [hbm4b:s4+s2], $0x80, v4, vm0, $0xb8;
	[tilespmem:$0x18100] =	vst v63  }
0x88: {  	_ = 	snop  }
0x89: {  	[tilespmem:s12], [sflag:$0x2] =	stream.indirect_vreg.gather [hbm4b:s5+s2], $0x80, v4, vm0, $0xb8;
	[tilespmem:$0x18100] =	vst v63  }
0x8a: {  	s11 =	simm.s32 $0xD900  }
0x8b: {  	[tilespmem:s11], [sflag:$0x2] =	stream.indirect_vreg.gather [hbm4b:s3+s2], $0x80, v3, vm0, $0xb8;
	[tilespmem:$0x18100] =	vst v63  }
0x8c: {  	s12 =	simm.s32 $0xE100  }
0x8d: {  	[tilespmem:s12], [sflag:$0x2] =	stream.indirect_vreg.gather [hbm4b:s4+s2], $0x80, v3, vm0, $0xb8;
	[tilespmem:$0x18100] =	vst v63  }
0x8e: {  	_ = 	snop  }
0x8f: {  	[tilespmem:s13], [sflag:$0x2] =	stream.indirect_vreg.gather [hbm4b:s5+s2], $0x80, v3, vm0, $0xb8;
	[tilespmem:$0x18100] =	vst v63  }
0x90: {  	v3 =	vld [tilespmem:$0x90];
	_ =	sdelay $0x4  }
0x91: {  	v61 =	vshrl.u32 v3, $0x3  }
0x92: {  	v4 =	vmul.u32 $0x30, v61  }
0x93: {  	v3 =	vand.u32 $0x7, v3  }
0x94: {  	v3 =	vor.u32 v3, v4  }
0x95: {  	v4 =	vperm.xlane v3, v0;
	_ =	sdelay $0x1  }
0x96: {  	v4 =	vadd.s32 v1, v4;
	_ =	sdelay $0x3  }
0x97: {  	v3 =	vperm.xlane v3, v2  }
0x98: {  	[tilespmem:s14], [sflag:$0x2] =	stream.indirect_vreg.gather [hbm4b:s3+s2], $0x80, v4, vm0, $0xb8;
	[tilespmem:$0x18100] =	vst v63  }
0x99: {  	v3 =	vadd.s32 v1, v3  }
0x9a: {  	[tilespmem:s15], [sflag:$0x2] =	stream.indirect_vreg.gather [hbm4b:s4+s2], $0x80, v4, vm0, $0xb8;
	[tilespmem:$0x18100] =	vst v63  }
0x9b: {  	_ = 	snop  }
0x9c: {  	[tilespmem:s16], [sflag:$0x2] =	stream.indirect_vreg.gather [hbm4b:s5+s2], $0x80, v4, vm0, $0xb8;
	[tilespmem:$0x18100] =	vst v63  }
0x9d: {  	_ = 	snop  }
0x9e: {  	[tilespmem:s17], [sflag:$0x2] =	stream.indirect_vreg.gather [hbm4b:s3+s2], $0x80, v3, vm0, $0xb8;
	[tilespmem:$0x18100] =	vst v63  }
0x9f: {  	_ = 	snop  }
0xa0: {  	[tilespmem:s18], [sflag:$0x2] =	stream.indirect_vreg.gather [hbm4b:s4+s2], $0x80, v3, vm0, $0xb8;
	[tilespmem:$0x18100] =	vst v63  }
0xa1: {  	_ = 	snop  }
0xa2: {  	[tilespmem:s19], [sflag:$0x2] =	stream.indirect_vreg.gather [hbm4b:s5+s2], $0x80, v3, vm0, $0xb8;
	[tilespmem:$0x18100] =	vst v63  }
0xa3: {  	v3 =	vld [tilespmem:$0xA0];
	_ =	sdelay $0x4  }
0xa4: {  	v62 =	vshrl.u32 v3, $0x3  }
0xa5: {  	v4 =	vmul.u32 $0x30, v62  }
0xa6: {  	v3 =	vand.u32 $0x7, v3  }
0xa7: {  	v3 =	vor.u32 v3, v4  }
0xa8: {  	v4 =	vperm.xlane v3, v0;
	_ =	sdelay $0x1  }
0xa9: {  	v4 =	vadd.s32 v1, v4;
	_ =	sdelay $0x3  }
0xaa: {  	v3 =	vperm.xlane v3, v2  }
0xab: {  	[tilespmem:s20], [sflag:$0x2] =	stream.indirect_vreg.gather [hbm4b:s3+s2], $0x80, v4, vm0, $0xb8;
	[tilespmem:$0x18100] =	vst v63  }
0xac: {  	v3 =	vadd.s32 v1, v3  }
0xad: {  	[tilespmem:s21], [sflag:$0x2] =	stream.indirect_vreg.gather [hbm4b:s4+s2], $0x80, v4, vm0, $0xb8;
	[tilespmem:$0x18100] =	vst v63  }
0xae: {  	_ = 	snop  }
0xaf: {  	[tilespmem:s22], [sflag:$0x2] =	stream.indirect_vreg.gather [hbm4b:s5+s2], $0x80, v4, vm0, $0xb8;
	[tilespmem:$0x18100] =	vst v63  }
0xb0: {  	_ = 	snop  }
0xb1: {  	[tilespmem:s23], [sflag:$0x2] =	stream.indirect_vreg.gather [hbm4b:s3+s2], $0x80, v3, vm0, $0xb8;
	[tilespmem:$0x18100] =	vst v63  }
0xb2: {  	_ = 	snop  }
0xb3: {  	[tilespmem:s24], [sflag:$0x2] =	stream.indirect_vreg.gather [hbm4b:s4+s2], $0x80, v3, vm0, $0xb8;
	[tilespmem:$0x18100] =	vst v63  }
0xb4: {  	_ = 	snop  }
0xb5: {  	[tilespmem:s25], [sflag:$0x2] =	stream.indirect_vreg.gather [hbm4b:s5+s2], $0x80, v3, vm0, $0xb8;
	[tilespmem:$0x18100] =	vst v63  }
0xb6: {  	v3 =	vld [tilespmem:$0xB0];
	_ =	sdelay $0x4  }
0xb7: {  	v63 =	vshrl.u32 v3, $0x3  }
0xb8: {  	v4 =	vmul.u32 $0x30, v63  }
0xb9: {  	v3 =	vand.u32 $0x7, v3  }
0xba: {  	v3 =	vor.u32 v3, v4  }
0xbb: {  	v4 =	vperm.xlane v3, v0;
	_ =	sdelay $0x1  }
0xbc: {  	v4 =	vadd.s32 v1, v4;
	_ =	sdelay $0x3  }
0xbd: {  	v3 =	vperm.xlane v3, v2  }
0xbe: {  	[tilespmem:s26], [sflag:$0x2] =	stream.indirect_vreg.gather [hbm4b:s3+s2], $0x80, v4, vm0, $0xb8;
	[tilespmem:$0x18100] =	vst v63  }
0xbf: {  	v3 =	vadd.s32 v1, v3  }
0xc0: {  	[tilespmem:s28], [sflag:$0x2] =	stream.indirect_vreg.gather [hbm4b:s4+s2], $0x80, v4, vm0, $0xb8;
	[tilespmem:$0x18100] =	vst v63  }
0xc1: {  	_ = 	snop  }
0xc2: {  	[tilespmem:s29], [sflag:$0x2] =	stream.indirect_vreg.gather [hbm4b:s5+s2], $0x80, v4, vm0, $0xb8;
	[tilespmem:$0x18100] =	vst v63  }
0xc3: {  	_ = 	snop  }
0xc4: {  	[tilespmem:s30], [sflag:$0x2] =	stream.indirect_vreg.gather [hbm4b:s3+s2], $0x80, v3, vm0, $0xb8;
	[tilespmem:$0x18100] =	vst v63  }
0xc5: {  	_ = 	snop  }
0xc6: {  	[tilespmem:s31], [sflag:$0x2] =	stream.indirect_vreg.gather [hbm4b:s4+s2], $0x80, v3, vm0, $0xb8;
	[tilespmem:$0x18100] =	vst v63  }
0xc7: {  	_ = 	snop  }
0xc8: {  	[tilespmem:s1], [sflag:$0x2] =	stream.indirect_vreg.gather [hbm4b:s5+s2], $0x80, v3, vm0, $0xb8;
	[tilespmem:$0x18100] =	vst v63  }
0xc9: {  	_ =	swait.ge [sflag:s7], $0xC000  }
0xca: {  	[sflag:s7] =	ssyncset.done $0x0  }
0xcb: {  	s11 =	rddreg [dreg:$0x5];
	[sflag:s7] =	ssyncadd.s32 $0xFFFF4000  }
0xcc: {  	[hbm4b:s11+s2] =	stream.linear.scatter [tilespmem:s8], [sflag:$0x1], $0xC000, $0x38;
	[tilespmem:$0x18100] =	vst v63  }
0xcd: {  	_ =	swait.ge [sflag:s9], $0xC000  }
0xce: {  	[sflag:s9] =	ssyncset.done $0x0  }
0xcf: {  	s12 =	rddreg [dreg:$0x6];
	[sflag:s9] =	ssyncadd.s32 $0xFFFF4000  }
0xd0: {  	[hbm4b:s12+s2] =	stream.linear.scatter [tilespmem:s10], [sflag:$0x2], $0xC000, $0x38;
	[tilespmem:$0x18100] =	vst v63  }
0xd1: {  	p0 =	sne.s32 s6, $0x1;
	_ =	swait.ge [sflag:s7], $0xC000  }
.Ltmp0:
0xd2: {  	[sflag:s7] =	ssyncset.done $0x0;
	(pc) =	sbr.rel @p0 .LBB2_1-.Ltmp0, $4  }
0xd3: {  	[sflag:s7] =	ssyncadd.s32 $0xFFFF4000  }
0xd4: {  	_ =	swait.ge [sflag:s9], $0xC000  }
0xd5: {  	[sflag:s9] =	ssyncset.done $0x0  }
0xd6: {  	s6 =	sadd.s32 $0xFFFFFFFF, s6;
	[sflag:s9] =	ssyncadd.s32 $0xFFFF4000  }
0xd7: {  	_ =	sfence.sel $0x180000  }
0xd8: {  	[bflag:$0x0] =	sbarrier.arrive $0xFFFF  }
0xd9: {  	_ =	strace $0x9000004A  }
0xda: {  	s0 =	stileid.u32;
	[bflag:$0x2] =	sbarrier.arrive $0xFFFF  }
0xdb: {  	p0 =	sne.s32 s0, $0x0;
	s0 =	rddreg [dreg:$0x2]  }
0xdc: {  	s0 =	sadd.s32 @!p0 $0x100000, s0  }
0xdd: {  	[sflag:s0] =	ssyncadd.tile.s32 @!p0 $0x1;
	_ =	shalt  }
.Lfunc_end2:
_tile_overlayer_lowered:
.L_overlay_start_2:
0xde: {  	(tag) =	ssettag $0x2  }
0xdf: {  	s0 =	rddreg [dreg:$0x0];
	s2 =	stileid.u32  }
0xe0: {  	s1 =	rddreg [dreg:$0x1];
	p0 =	sne.s32 s2, $0x0  }
0xe1: {  	s3 =	rddreg [dreg:$0x2];
	[bflag:$0x3] =	sbarrier.arrive $0xFFFF;
	s2 =	simm.s32 @!p0 $0x1C03  }
0xe2: {  	[timem:s3], [sflag:s2] =	dma.local @!p0 [hbm:s0], s1  }
0xe3: {  	s0 =	simm.s32 @!p0 $0x3  }
0xe4: {  	_ =	swait.ge @!p0 [sflag:s0], s1  }
0xe5: {  	s1 =	ssub.s32 @!p0 $0x0, s1;
	[sflag:s0] =	ssyncset.done @!p0 $0x0  }
0xe6: {  	[sflag:s0] =	ssyncadd.s32 @!p0 s1  }
0xe7: {  	[bflag:$0x3] =	sbarrier.arrive $0xFFFF  }
0xe8: {  	_ =	shalt  }

// kernel: kernel.7.cloned.1.call-start
scs
__scs_entry_jumppad:
0x0: {  	(pc) =	sbr.rel $0x88, $3  }
0x1: {  	(tag) =	ssettag $0x0;
	lr =	simm.s32 $0x1  }
0x2: {  	[smem:$0x3F9C] =	sst lr;
	_ =	strace $0xD0000000  }
0x3: {  	_ = 	snop  }
0x4: {  	_ = 	snop  }
0x5: {  	_ = 	snop  }
0x6: {  	_ = 	snop  }
0x7: {  	_ = 	snop  }
__scs_overlays_trampoline_lowered:
0x8: {  	[smem:$0x3FAB] =	sst s0  }
0x9: {  	[smem:$0x3FAC] =	sst s1  }
0xa: {  	[smem:$0x3FAD] =	sst s2  }
0xb: {  	[smem:$0x3FAE] =	sst s3  }
0xc: {  	[smem:$0x3FAF] =	sst s4  }
0xd: {  	[smem:$0x3FB0] =	sst s5  }
0xe: {  	[smem:$0x3FB1] =	sst s6  }
0xf: {  	[smem:$0x3FB2] =	sst s7  }
0x10: {  	[smem:$0x3FB3] =	sst s8  }
0x11: {  	[smem:$0x3FB4] =	sst s9;
	s0 =	simm.s32 @!p0 $0x0  }
0x12: {  	s1 =	sld [smem:$0x3F9A];
	s0 =	simm.s32 @p0 $0x1  }
0x13: {  	[smem:$0x3FB5] =	sst s0;
	s0 =	simm.s32 @!p1 $0x0  }
0x14: {  	s2 =	sld [smem:$0x3F99];
	s0 =	simm.s32 @p1 $0x1  }
0x15: {  	[smem:$0x3FB6] =	sst s0;
	s0 =	simm.s32 @!p2 $0x0  }
0x16: {  	s3 =	sld [smem:$0x3FDB];
	s0 =	simm.s32 @p2 $0x1  }
0x17: {  	s4 =	simm.s32 $0x1BF5;
	[smem:$0x3FB8] =	sst s0  }
0x18: {  	s0 =	sld [smem:$0x3F9B];
	_ =	swait.ge [sflag:s4], $0x0  }
0x19: {  	s7 =	sld [smem:$0x3F9C]  }
0x1a: {  	s8 =	sadd.s32 $0xFFFFE003, lr  }
0x1b: {  	s9 =	sadd.s32 $0xFFFFFEF7, lr;
	s5 =	simm.s32 $0xFFFFFFFF;
	p2 =	slt.u32 s8, $0xFFFFF086  }
0x1c: {  	p1 =	slt.u32 s9, $0xF7A;
	s5 =	simm.s32 @!p2 $0x0  }
0x1d: {  	s5 =	simm.s32 @p1 $0x1;
	p0 =	seq.s32 s7, s2  }
0x1e: {  	s7 =	smul.u32 @!p0 $0xF7A, s2;
	p2 =	seq.s32 @!p0 s5, $0x0  }
0x1f: {  	s9 =	smul.u32 $0xF7A, s1;
	s8 =	simm.s32 @!p0 $0x1BF5;
	p2 =	por !p2, p0  }
0x20: {  	[sflag:s8] =	ssyncset.s32 @!p0 $0xFFFFF086;
	s6 =	sadd.s32 @!p0 s3, s7;
	s7 =	simm.s32 @!p0 $0x108  }
0x21: {  	s3 =	sadd.s32 s3, s9;
	s6 =	sadd.s32 @!p0 $0x88, s6;
	s7 =	simm.s32 @p2 $0x1082  }
0x22: {  	[simem:s7], [sflag:s8] =	dma.local @!p0 [hbm:s6], $0xF7A  }
0x23: {  	s9 =	sor.u32 $0xD0000000, s2;
	s6 =	simm.s32 $0x108;
	_ =	swait.ge @!p0 [sflag:s8], $0x0  }
0x24: {  	s3 =	sadd.s32 $0x88, s3;
	s6 =	simm.s32 @!p1 $0x1082;
	[sflag:s4] =	ssyncset.s32 $0xFFFFF086  }
0x25: {  	[simem:s6], [sflag:s4] =	dma.local [hbm:s3], $0xF7A  }
0x26: {  	[smem:$0x3F9C] =	sst s1;
	(tag) =	ssettag s2;
	_ =	strace s9  }
0x27: {  	s1 =	sld [smem:$0x3FAC]  }
0x28: {  	s2 =	sld [smem:$0x3FAD]  }
0x29: {  	s4 =	sld [smem:$0x3FAF]  }
0x2a: {  	p0 =	seq.s32 s5, $0x0;
	s5 =	sld [smem:$0x3FB0]  }
0x2b: {  	s6 =	sld [smem:$0x3FB1]  }
0x2c: {  	s7 =	sld [smem:$0x3FB2]  }
0x2d: {  	s3 =	simm.s32 $0x108;
	s8 =	sld [smem:$0x3FB3]  }
0x2e: {  	s3 =	simm.s32 @!p0 $0x1082;
	s9 =	sld [smem:$0x3FB4]  }
0x2f: {  	lr =	sadd.s32 s0, s3;
	s0 =	sld [smem:$0x3FAB]  }
0x30: {  	s3 =	sld [smem:$0x3FAE]  }
0x31: {  	[smem:$0x3FB7] =	sst s10  }
0x32: {  	s10 =	sld [smem:$0x3FB5];
	_ =	sdelay $0x3  }
0x33: {  	p0 =	seq.s32 s10, $0x1;
	s10 =	sld [smem:$0x3FB7];
	_ =	sdelay $0x3  }
0x34: {  	[smem:$0x3FB7] =	sst s10  }
0x35: {  	s10 =	sld [smem:$0x3FB6];
	_ =	sdelay $0x3  }
0x36: {  	p1 =	seq.s32 s10, $0x1;
	s10 =	sld [smem:$0x3FB7];
	_ =	sdelay $0x3  }
0x37: {  	[smem:$0x3FB7] =	sst s10  }
0x38: {  	s10 =	sld [smem:$0x3FB8]  }
0x39: {  	_ = 	snop;
	(pc) =	sbr.ind lr, $3  }
0x3a: {  	_ = 	snop  }
0x3b: {  	_ = 	snop  }
0x3c: {  	p2 =	seq.s32 s10, $0x1;
	s10 =	sld [smem:$0x3FB7]  }
0x3d: {  	_ =	shalt  }
0x3e: {  	_ =	shalt  }
0x3f: {  	_ =	shalt  }
0x40: {  	_ =	shalt  }
0x41: {  	_ =	shalt  }
0x42: {  	_ =	shalt  }
0x43: {  	_ =	shalt  }
0x44: {  	_ =	shalt  }
0x45: {  	_ =	shalt  }
0x46: {  	_ =	shalt  }
0x47: {  	_ =	shalt  }
0x48: {  	_ =	shalt  }
0x49: {  	_ =	shalt  }
0x4a: {  	_ =	shalt  }
0x4b: {  	_ =	shalt  }
0x4c: {  	_ =	shalt  }
0x4d: {  	_ =	shalt  }
0x4e: {  	_ =	shalt  }
0x4f: {  	_ =	shalt  }
0x50: {  	_ =	shalt  }
0x51: {  	_ =	shalt  }
0x52: {  	_ =	shalt  }
0x53: {  	_ =	shalt  }
0x54: {  	_ =	shalt  }
0x55: {  	_ =	shalt  }
0x56: {  	_ =	shalt  }
0x57: {  	_ =	shalt  }
0x58: {  	_ =	shalt  }
0x59: {  	_ =	shalt  }
0x5a: {  	_ =	shalt  }
0x5b: {  	_ =	shalt  }
0x5c: {  	_ =	shalt  }
0x5d: {  	_ =	shalt  }
0x5e: {  	_ =	shalt  }
0x5f: {  	_ =	shalt  }
0x60: {  	_ =	shalt  }
0x61: {  	_ =	shalt  }
0x62: {  	_ =	shalt  }
0x63: {  	_ =	shalt  }
0x64: {  	_ =	shalt  }
0x65: {  	_ =	shalt  }
0x66: {  	_ =	shalt  }
0x67: {  	_ =	shalt  }
0x68: {  	_ =	shalt  }
0x69: {  	_ =	shalt  }
0x6a: {  	_ =	shalt  }
0x6b: {  	_ =	shalt  }
0x6c: {  	_ =	shalt  }
0x6d: {  	_ =	shalt  }
0x6e: {  	_ =	shalt  }
0x6f: {  	_ =	shalt  }
0x70: {  	_ =	shalt  }
0x71: {  	_ =	shalt  }
0x72: {  	_ =	shalt  }
0x73: {  	_ =	shalt  }
0x74: {  	_ =	shalt  }
0x75: {  	_ =	shalt  }
0x76: {  	_ =	shalt  }
0x77: {  	_ =	shalt  }
0x78: {  	_ =	shalt  }
0x79: {  	_ =	shalt  }
0x7a: {  	_ =	shalt  }
0x7b: {  	_ =	shalt  }
0x7c: {  	_ =	shalt  }
0x7d: {  	_ =	shalt  }
0x7e: {  	_ =	shalt  }
0x7f: {  	_ =	shalt  }
0x80: {  	_ =	shalt  }
0x81: {  	_ =	shalt  }
0x82: {  	_ =	shalt  }
0x83: {  	_ =	shalt  }
0x84: {  	_ =	shalt  }
0x85: {  	_ =	shalt  }
0x86: {  	_ =	shalt  }
0x87: {  	_ =	shalt  }
.Lfunc_end0:
.L_simem_size_0:
called_computation_lowered:
.L_overlay_start_0:
0x88: {  	s2 =	sld [smem:$0x3FD9]  }
0x89: {  	s3 =	sld [smem:$0x3FFE];
	_ =	sdelay $0x1  }
0x8a: {  	s1 =	srdreg.scid  }
0x8b: {  	s0 =	sand.u32 $0x1, s1  }
0x8c: {  	s17 =	sshll.u32 s0, $0xA;
	s2 =	sadd.s32 s3, s2  }
0x8d: {  	s2 =	sadd.s32 s2, s17  }
0x8e: {  	[smem:$0x3FC3] =	sst s2  }
0x8f: {  	_ = 	snop  }
0x90: {  	s2 =	sld [smem:$0x3FC9];
	(tm) =	ssettm $0x1  }
0x91: {  	s18 =	sld [smem:$0x3FFB];
	_ =	sdelay $0x3  }
0x92: {  	_ =	strace s18  }
0x93: {  	s3 =	sld [smem:$0x3FFC];
	_ =	sdelay $0x3  }
0x94: {  	_ =	strace s3  }
0x95: {  	s3 =	sld [smem:$0x3FFD];
	_ =	sdelay $0x3  }
0x96: {  	_ =	strace s3  }
0x97: {  	_ =	strace $0x8FFFFFFF  }
0x98: {  	s19 =	sld [smem:$0x3FDB];
	_ =	sdelay $0x1  }
0x99: {  	s4 =	simm.s32 $_scs_section_size  }
0x9a: {  	s5 =	simm.s32 $_size__tile_overlayer_lowered;
	s6 =	simm.s32 $_tile_overlayer_lowered  }
0x9b: {  	s22 =	simm.s32 $0x1BFF;
	s21 =	sshll.u32 s6, $0x1;
	s3 =	sadd.s32 s4, s19  }
0x9c: {  	s7 =	simm.s32 $0x0;
	s20 =	sshll.u32 s5, $0x1;
	s5 =	sadd.s32 s21, s3  }
0x9d: {  	[timem:s7], [sflag:s22] =	dma.local [hbm:s5], s20  }
0x9e: {  	_ =	swait.ge [sflag:s22], s20  }
0x9f: {  	s4 =	ssub.s32 $0x0, s20;
	[sflag:s22] =	ssyncset.done $0x0  }
0xa0: {  	[sflag:s22] =	ssyncadd.s32 s4;
	_ =	sdelay $0x1  }
0xa1: {  	s23 =	simm.s32 $0x1B8B  }
0xa2: {  	_ =	swait.ge [sflag:s23], $0x1  }
0xa3: {  	[sflag:s23] =	ssyncset.done $0x0  }
0xa4: {  	s25 =	simm.s32 $0x1B8E;
	s24 =	sld [smem:$0x3FFE];
	[sflag:s23] =	ssyncadd.s32 $0xFFFFFFFF  }
0xa5: {  	s26 =	simm.s32 $execute0_lowered;
	[smem:$0x3FD2] =	sst s25  }
0xa6: {  	s5 =	sshll.u32 s26, $0x1;
	_ =	strace $0x80000046;
	[dreg:$0x1] =	wrdreg $0xFFFFFFFF  }
0xa7: {  	s28 =	simm.s32 $_size_execute0_lowered;
	s3 =	sadd.s32 s3, s5;
	[dreg:$0x0] =	wrdreg $0x0  }
0xa8: {  	s5 =	sshll.u32 s28, $0x1;
	[dreg:$0x2] =	wrdreg s3  }
0xa9: {  	[dreg:$0x3] =	wrdreg s5  }
0xaa: {  	[dreg:$0x4] =	wrdreg $0xC0  }
0xab: {  	_ =	task [dreg:s7], $0x5FFFF  }
0xac: {  	[dreg:$0x1] =	wrdreg $0xFFFFFFFF  }
0xad: {  	[dreg:$0x0] =	wrdreg $0x60  }
0xae: {  	[dreg:$0x2] =	wrdreg s2  }
0xaf: {  	[dreg:$0x3] =	wrdreg s24  }
0xb0: {  	[dreg:$0x4] =	wrdreg $0x9  }
0xb1: {  	_ =	task.clear_ibuf [dreg:s7], $0x5FFFF;
	_ =	strace $0x90000046  }
0xb2: {  	s29 =	simm.s32 $0x9;
	_ =	strace $0x80000048  }
0xb3: {  	_ =	swait.ge [sflag:s29], $0x1  }
0xb4: {  	[sflag:s29] =	ssyncadd.s32 $0xFFFFFFFF  }
0xb5: {  	_ =	strace $0x90000048  }
0xb6: {  	_ =	sfence  }
0xb7: {  	s30 =	sld [smem:$0x0];
	_ =	sdelay $0x2  }
0xb8: {  	s31 =	sshll.u32 s1, $0xD;
	s1 =	sshrl.u32 s1, $0x2  }
0xb9: {  	s3 =	sand.u32 $0x4000, s31;
	s1 =	sadd.s32 s1, s30  }
0xba: {  	s0 =	sor.u32 s3, s0;
	s1 =	sshll.u32 s1, $0x11  }
0xbb: {  	s0 =	sor.u32 s1, s0  }
0xbc: {  	s0 =	sadd.s32 $0x8F2B, s0  }
0xbd: {  	[sflag:s0] =	ssyncadd.remote.s32 $0x1  }
0xbe: {  	_ =	sfence.sel $0xFFFF  }
0xbf: {  	[dreg:$0x0] =	wrdreg $0xFFFFFFFF;
	(pc) =	sbr.abs _section_cstart, $3  }
0xc0: {  	[dreg:$0x1] =	wrdreg $0xFFFFFFFF  }
0xc1: {  	_ =	task.clear_ibuf [dreg:s7], $0x2FFFF;
	_ =	strace $0x9FFFFFFF  }
0xc2: {  	(tm) =	ssettm $0x7FFFFFFF  }
0xc3: {  	_ =	shalt  }
tec
execute0_lowered:
.L_overlay_start_1:
0x0: {  	(tag) =	ssettag $0x1  }
0x1: {  	s0 =	rddreg [dreg:$0x0]  }
0x2: {  	s1 =	rddreg [dreg:$0x1]  }
0x3: {  	s2 =	srdreg.scid;
	s3 =	stileid.u32;
	s26 =	simm.s32 $0x80  }
0x4: {  	s9 =	simm.s32 $0x2;
	s10 =	simm.s32 $0x100;
	s15 =	simm.s32 $0x2100  }
0x5: {  	s16 =	simm.s32 $0x2900;
	s17 =	simm.s32 $0x3100;
	s18 =	simm.s32 $0x3900  }
0x6: {  	s19 =	simm.s32 $0x4100;
	s20 =	simm.s32 $0x4900;
	s21 =	simm.s32 $0x5100  }
0x7: {  	s22 =	simm.s32 $0x5900;
	s23 =	simm.s32 $0x6100;
	s24 =	simm.s32 $0x6900  }
0x8: {  	s28 =	simm.s32 $0x8100;
	s29 =	simm.s32 $0x8900;
	s30 =	simm.s32 $0x9100  }
0x9: {  	s31 =	simm.s32 $0x9900;
	s11 =	simm.s32 $0xB100;
	s4 =	sand.u32 $0x1, s2  }
0xa: {  	s2 =	simm.s32 $0x0;
	s3 =	sshll.u32 s3, $0x4;
	s5 =	sshll.u32 s4, $0x3  }
0xb: {  	[smem:$0x7FF] =	sst s2;
	s4 =	ssub.s32 $0x2, s4;
	s5 =	sor.u32 s5, s3  }
0xc: {  	_ =	strace $0x80000047;
	s3 =	sadd.s32 $0x19E00, s1;
	s8 =	sshrl.u32 s4, $0x1  }
0xd: {  	[dreg:$0x6] =	wrdreg s26;
	s26 =	simm.s32 $0x7900;
	s6 =	sadd.s32 s5, s1  }
0xe: {  	s5 =	smul.u32 $0x300, s5;
	s25 =	ssub.s32 s4, s8;
	s7 =	sadd.s32 $0x19A00, s6  }
0xf: {  	s4 =	sadd.s32 $0x19F00, s1;
	s6 =	sadd.s32 $0x19C00, s6;
	[dreg:$0x3] =	wrdreg s7  }
0x10: {  	v2 =	vlaneseq.u32;
	s8 =	simm.s32 $0x1;
	[dreg:$0x4] =	wrdreg s6;
	s0 =	sadd.s32 s0, s5  }
0x11: {  	vm0 =	vmmov $0xffff;
	v1 =	vshrl.u32 v2, $0x3;
	s5 =	sadd.s32 $0x1A000, s1;
	s6 =	smax.u32 s25, $0x1;
	s25 =	simm.s32 $0x7100  }
0x12: {  	v0 =	vand.u32 $0x7, v2;
	v2 =	vor.u32 $0x8, v2;
	v1 =	vmul.u32 $0x8, v1;
	s1 =	simm.s32 $0xA900;
	s7 =	simm.s32 $0xB900;
	[dreg:$0x5] =	wrdreg s0  }
.LBB2_1:
0x13: {  	s12 =	rddreg [dreg:$0x3]  }
0x14: {  	s13 =	rddreg [dreg:$0x4]  }
0x15: {  	[tilespmem:s2], [sflag:$0x1] =	stream.linear.gather [hbm4b:s12+s2], $0x40, $0x38;
	[tilespmem:$0xC100] =	vst v63  }
0x16: {  	s14 =	rddreg [dreg:$0x6]  }
0x17: {  	[tilespmem:s14], [sflag:$0x2] =	stream.linear.gather [hbm4b:s13+s2], $0x40, $0x38;
	[tilespmem:$0xC100] =	vst v63  }
0x18: {  	s0 =	rddreg [dreg:$0x5]  }
0x19: {  	[tilespmem:s10], [sflag:$0x3] =	stream.linear.gather [hbm4b:s0+s2], $0xC000, $0x38;
	[tilespmem:$0xC100] =	vst v63  }
0x1a: {  	_ =	swait.ge [sflag:s8], $0x40  }
0x1b: {  	[sflag:s8] =	ssyncset.done $0x0  }
0x1c: {  	[sflag:s8] =	ssyncadd.s32 $0xFFFFFFC0  }
0x1d: {  	_ =	swait.ge [sflag:s9], $0x40  }
0x1e: {  	[sflag:s9] =	ssyncset.done $0x0  }
0x1f: {  	s0 =	simm.s32 $0x3;
	[sflag:s9] =	ssyncadd.s32 $0xFFFFFFC0  }
0x20: {  	_ =	swait.ge [sflag:s0], $0xC000  }
0x21: {  	[sflag:s0] =	ssyncset.done $0x0  }
0x22: {  	[sflag:s0] =	ssyncadd.s32 $0xFFFF4000  }
0x23: {  	v3 =	vld [tilespmem:$0x0];
	_ =	sdelay $0x4  }
0x24: {  	v4 =	vshrl.u32 v3, $0x3  }
0x25: {  	v4 =	vmul.u32 $0x30, v4  }
0x26: {  	v3 =	vand.u32 $0x7, v3  }
0x27: {  	v3 =	vor.u32 v3, v4  }
0x28: {  	v4 =	vperm.xlane v3, v0;
	_ =	sdelay $0x1  }
0x29: {  	v4 =	vadd.s32 v1, v4;
	_ =	sdelay $0x3  }
0x2a: {  	v3 =	vperm.xlane v3, v2  }
0x2b: {  	[hbm4b:s3+s2] =	stream.indirect_vreg.scatter [tilespmem:s10], [sflag:$0x1], $0x80, v4, vm0, $0xb8;
	[tilespmem:$0xC100] =	vst v63  }
0x2c: {  	s12 =	simm.s32 $0x900;
	v3 =	vadd.s32 v1, v3  }
0x2d: {  	[hbm4b:s4+s2] =	stream.indirect_vreg.scatter [tilespmem:s12], [sflag:$0x1], $0x80, v4, vm0, $0xb8;
	[tilespmem:$0xC100] =	vst v63  }
0x2e: {  	s13 =	simm.s32 $0x1100  }
0x2f: {  	[hbm4b:s5+s2] =	stream.indirect_vreg.scatter [tilespmem:s13], [sflag:$0x1], $0x80, v4, vm0, $0xb8;
	[tilespmem:$0xC100] =	vst v63  }
0x30: {  	s14 =	simm.s32 $0x1900  }
0x31: {  	[hbm4b:s3+s2] =	stream.indirect_vreg.scatter [tilespmem:s14], [sflag:$0x1], $0x80, v3, vm0, $0xb8;
	[tilespmem:$0xC100] =	vst v63  }
0x32: {  	_ = 	snop  }
0x33: {  	[hbm4b:s4+s2] =	stream.indirect_vreg.scatter [tilespmem:s15], [sflag:$0x1], $0x80, v3, vm0, $0xb8;
	[tilespmem:$0xC100] =	vst v63  }
0x34: {  	_ = 	snop  }
0x35: {  	[hbm4b:s5+s2] =	stream.indirect_vreg.scatter [tilespmem:s16], [sflag:$0x1], $0x80, v3, vm0, $0xb8;
	[tilespmem:$0xC100] =	vst v63  }
0x36: {  	v3 =	vld [tilespmem:$0x10];
	_ =	sdelay $0x4  }
0x37: {  	v57 =	vshrl.u32 v3, $0x3  }
0x38: {  	v4 =	vmul.u32 $0x30, v57  }
0x39: {  	v3 =	vand.u32 $0x7, v3  }
0x3a: {  	v3 =	vor.u32 v3, v4  }
0x3b: {  	v4 =	vperm.xlane v3, v0;
	_ =	sdelay $0x1  }
0x3c: {  	v4 =	vadd.s32 v1, v4;
	_ =	sdelay $0x3  }
0x3d: {  	v3 =	vperm.xlane v3, v2  }
0x3e: {  	[hbm4b:s3+s2] =	stream.indirect_vreg.scatter [tilespmem:s17], [sflag:$0x1], $0x80, v4, vm0, $0xb8;
	[tilespmem:$0xC100] =	vst v63  }
0x3f: {  	v3 =	vadd.s32 v1, v3  }
0x40: {  	[hbm4b:s4+s2] =	stream.indirect_vreg.scatter [tilespmem:s18], [sflag:$0x1], $0x80, v4, vm0, $0xb8;
	[tilespmem:$0xC100] =	vst v63  }
0x41: {  	_ = 	snop  }
0x42: {  	[hbm4b:s5+s2] =	stream.indirect_vreg.scatter [tilespmem:s19], [sflag:$0x1], $0x80, v4, vm0, $0xb8;
	[tilespmem:$0xC100] =	vst v63  }
0x43: {  	_ = 	snop  }
0x44: {  	[hbm4b:s3+s2] =	stream.indirect_vreg.scatter [tilespmem:s20], [sflag:$0x1], $0x80, v3, vm0, $0xb8;
	[tilespmem:$0xC100] =	vst v63  }
0x45: {  	_ = 	snop  }
0x46: {  	[hbm4b:s4+s2] =	stream.indirect_vreg.scatter [tilespmem:s21], [sflag:$0x1], $0x80, v3, vm0, $0xb8;
	[tilespmem:$0xC100] =	vst v63  }
0x47: {  	_ = 	snop  }
0x48: {  	[hbm4b:s5+s2] =	stream.indirect_vreg.scatter [tilespmem:s22], [sflag:$0x1], $0x80, v3, vm0, $0xb8;
	[tilespmem:$0xC100] =	vst v63  }
0x49: {  	v3 =	vld [tilespmem:$0x20];
	_ =	sdelay $0x4  }
0x4a: {  	v58 =	vshrl.u32 v3, $0x3  }
0x4b: {  	v4 =	vmul.u32 $0x30, v58  }
0x4c: {  	v3 =	vand.u32 $0x7, v3  }
0x4d: {  	v3 =	vor.u32 v3, v4  }
0x4e: {  	v4 =	vperm.xlane v3, v0;
	_ =	sdelay $0x1  }
0x4f: {  	v4 =	vadd.s32 v1, v4;
	_ =	sdelay $0x3  }
0x50: {  	v3 =	vperm.xlane v3, v2  }
0x51: {  	[hbm4b:s3+s2] =	stream.indirect_vreg.scatter [tilespmem:s23], [sflag:$0x1], $0x80, v4, vm0, $0xb8;
	[tilespmem:$0xC100] =	vst v63  }
0x52: {  	v3 =	vadd.s32 v1, v3  }
0x53: {  	[hbm4b:s4+s2] =	stream.indirect_vreg.scatter [tilespmem:s24], [sflag:$0x1], $0x80, v4, vm0, $0xb8;
	[tilespmem:$0xC100] =	vst v63  }
0x54: {  	_ = 	snop  }
0x55: {  	[hbm4b:s5+s2] =	stream.indirect_vreg.scatter [tilespmem:s25], [sflag:$0x1], $0x80, v4, vm0, $0xb8;
	[tilespmem:$0xC100] =	vst v63  }
0x56: {  	_ = 	snop  }
0x57: {  	[hbm4b:s3+s2] =	stream.indirect_vreg.scatter [tilespmem:s26], [sflag:$0x1], $0x80, v3, vm0, $0xb8;
	[tilespmem:$0xC100] =	vst v63  }
0x58: {  	_ = 	snop  }
0x59: {  	[hbm4b:s4+s2] =	stream.indirect_vreg.scatter [tilespmem:s28], [sflag:$0x1], $0x80, v3, vm0, $0xb8;
	[tilespmem:$0xC100] =	vst v63  }
0x5a: {  	_ = 	snop  }
0x5b: {  	[hbm4b:s5+s2] =	stream.indirect_vreg.scatter [tilespmem:s29], [sflag:$0x1], $0x80, v3, vm0, $0xb8;
	[tilespmem:$0xC100] =	vst v63  }
0x5c: {  	v3 =	vld [tilespmem:$0x30];
	_ =	sdelay $0x4  }
0x5d: {  	v59 =	vshrl.u32 v3, $0x3  }
0x5e: {  	v4 =	vmul.u32 $0x30, v59  }
0x5f: {  	v3 =	vand.u32 $0x7, v3  }
0x60: {  	v3 =	vor.u32 v3, v4  }
0x61: {  	v4 =	vperm.xlane v3, v0;
	_ =	sdelay $0x1  }
0x62: {  	v4 =	vadd.s32 v1, v4;
	_ =	sdelay $0x3  }
0x63: {  	v3 =	vperm.xlane v3, v2  }
0x64: {  	[hbm4b:s3+s2] =	stream.indirect_vreg.scatter [tilespmem:s30], [sflag:$0x1], $0x80, v4, vm0, $0xb8;
	[tilespmem:$0xC100] =	vst v63  }
0x65: {  	v3 =	vadd.s32 v1, v3  }
0x66: {  	[hbm4b:s4+s2] =	stream.indirect_vreg.scatter [tilespmem:s31], [sflag:$0x1], $0x80, v4, vm0, $0xb8;
	[tilespmem:$0xC100] =	vst v63  }
0x67: {  	s0 =	simm.s32 $0xA100  }
0x68: {  	[hbm4b:s5+s2] =	stream.indirect_vreg.scatter [tilespmem:s0], [sflag:$0x1], $0x80, v4, vm0, $0xb8;
	[tilespmem:$0xC100] =	vst v63  }
0x69: {  	_ = 	snop  }
0x6a: {  	[hbm4b:s3+s2] =	stream.indirect_vreg.scatter [tilespmem:s1], [sflag:$0x1], $0x80, v3, vm0, $0xb8;
	[tilespmem:$0xC100] =	vst v63  }
0x6b: {  	_ = 	snop  }
0x6c: {  	[hbm4b:s4+s2] =	stream.indirect_vreg.scatter [tilespmem:s11], [sflag:$0x1], $0x80, v3, vm0, $0xb8;
	[tilespmem:$0xC100] =	vst v63  }
0x6d: {  	_ = 	snop  }
0x6e: {  	[hbm4b:s5+s2] =	stream.indirect_vreg.scatter [tilespmem:s7], [sflag:$0x1], $0x80, v3, vm0, $0xb8;
	[tilespmem:$0xC100] =	vst v63  }
0x6f: {  	v3 =	vld [tilespmem:$0x80];
	_ =	sdelay $0x4  }
0x70: {  	v60 =	vshrl.u32 v3, $0x3  }
0x71: {  	v4 =	vmul.u32 $0x30, v60  }
0x72: {  	v3 =	vand.u32 $0x7, v3  }
0x73: {  	v3 =	vor.u32 v3, v4  }
0x74: {  	v4 =	vperm.xlane v3, v0;
	_ =	sdelay $0x1  }
0x75: {  	v4 =	vadd.s32 v1, v4;
	_ =	sdelay $0x3  }
0x76: {  	v3 =	vperm.xlane v3, v2  }
0x77: {  	[hbm4b:s3+s2] =	stream.indirect_vreg.scatter [tilespmem:s10], [sflag:$0x2], $0x80, v4, vm0, $0xb8;
	[tilespmem:$0xC100] =	vst v63  }
0x78: {  	v3 =	vadd.s32 v1, v3  }
0x79: {  	[hbm4b:s4+s2] =	stream.indirect_vreg.scatter [tilespmem:s12], [sflag:$0x2], $0x80, v4, vm0, $0xb8;
	[tilespmem:$0xC100] =	vst v63  }
0x7a: {  	_ = 	snop  }
0x7b: {  	[hbm4b:s5+s2] =	stream.indirect_vreg.scatter [tilespmem:s13], [sflag:$0x2], $0x80, v4, vm0, $0xb8;
	[tilespmem:$0xC100] =	vst v63  }
0x7c: {  	_ = 	snop  }
0x7d: {  	[hbm4b:s3+s2] =	stream.indirect_vreg.scatter [tilespmem:s14], [sflag:$0x2], $0x80, v3, vm0, $0xb8;
	[tilespmem:$0xC100] =	vst v63  }
0x7e: {  	_ = 	snop  }
0x7f: {  	[hbm4b:s4+s2] =	stream.indirect_vreg.scatter [tilespmem:s15], [sflag:$0x2], $0x80, v3, vm0, $0xb8;
	[tilespmem:$0xC100] =	vst v63  }
0x80: {  	_ = 	snop  }
0x81: {  	[hbm4b:s5+s2] =	stream.indirect_vreg.scatter [tilespmem:s16], [sflag:$0x2], $0x80, v3, vm0, $0xb8;
	[tilespmem:$0xC100] =	vst v63  }
0x82: {  	v3 =	vld [tilespmem:$0x90];
	_ =	sdelay $0x4  }
0x83: {  	v61 =	vshrl.u32 v3, $0x3  }
0x84: {  	v4 =	vmul.u32 $0x30, v61  }
0x85: {  	v3 =	vand.u32 $0x7, v3  }
0x86: {  	v3 =	vor.u32 v3, v4  }
0x87: {  	v4 =	vperm.xlane v3, v0;
	_ =	sdelay $0x1  }
0x88: {  	v4 =	vadd.s32 v1, v4;
	_ =	sdelay $0x3  }
0x89: {  	v3 =	vperm.xlane v3, v2  }
0x8a: {  	[hbm4b:s3+s2] =	stream.indirect_vreg.scatter [tilespmem:s17], [sflag:$0x2], $0x80, v4, vm0, $0xb8;
	[tilespmem:$0xC100] =	vst v63  }
0x8b: {  	v3 =	vadd.s32 v1, v3  }
0x8c: {  	[hbm4b:s4+s2] =	stream.indirect_vreg.scatter [tilespmem:s18], [sflag:$0x2], $0x80, v4, vm0, $0xb8;
	[tilespmem:$0xC100] =	vst v63  }
0x8d: {  	_ = 	snop  }
0x8e: {  	[hbm4b:s5+s2] =	stream.indirect_vreg.scatter [tilespmem:s19], [sflag:$0x2], $0x80, v4, vm0, $0xb8;
	[tilespmem:$0xC100] =	vst v63  }
0x8f: {  	_ = 	snop  }
0x90: {  	[hbm4b:s3+s2] =	stream.indirect_vreg.scatter [tilespmem:s20], [sflag:$0x2], $0x80, v3, vm0, $0xb8;
	[tilespmem:$0xC100] =	vst v63  }
0x91: {  	_ = 	snop  }
0x92: {  	[hbm4b:s4+s2] =	stream.indirect_vreg.scatter [tilespmem:s21], [sflag:$0x2], $0x80, v3, vm0, $0xb8;
	[tilespmem:$0xC100] =	vst v63  }
0x93: {  	_ = 	snop  }
0x94: {  	[hbm4b:s5+s2] =	stream.indirect_vreg.scatter [tilespmem:s22], [sflag:$0x2], $0x80, v3, vm0, $0xb8;
	[tilespmem:$0xC100] =	vst v63  }
0x95: {  	v3 =	vld [tilespmem:$0xA0];
	_ =	sdelay $0x4  }
0x96: {  	v62 =	vshrl.u32 v3, $0x3  }
0x97: {  	v4 =	vmul.u32 $0x30, v62  }
0x98: {  	v3 =	vand.u32 $0x7, v3  }
0x99: {  	v3 =	vor.u32 v3, v4  }
0x9a: {  	v4 =	vperm.xlane v3, v0;
	_ =	sdelay $0x1  }
0x9b: {  	v4 =	vadd.s32 v1, v4;
	_ =	sdelay $0x3  }
0x9c: {  	v3 =	vperm.xlane v3, v2  }
0x9d: {  	[hbm4b:s3+s2] =	stream.indirect_vreg.scatter [tilespmem:s23], [sflag:$0x2], $0x80, v4, vm0, $0xb8;
	[tilespmem:$0xC100] =	vst v63  }
0x9e: {  	v3 =	vadd.s32 v1, v3  }
0x9f: {  	[hbm4b:s4+s2] =	stream.indirect_vreg.scatter [tilespmem:s24], [sflag:$0x2], $0x80, v4, vm0, $0xb8;
	[tilespmem:$0xC100] =	vst v63  }
0xa0: {  	_ = 	snop  }
0xa1: {  	[hbm4b:s5+s2] =	stream.indirect_vreg.scatter [tilespmem:s25], [sflag:$0x2], $0x80, v4, vm0, $0xb8;
	[tilespmem:$0xC100] =	vst v63  }
0xa2: {  	_ = 	snop  }
0xa3: {  	[hbm4b:s3+s2] =	stream.indirect_vreg.scatter [tilespmem:s26], [sflag:$0x2], $0x80, v3, vm0, $0xb8;
	[tilespmem:$0xC100] =	vst v63  }
0xa4: {  	_ = 	snop  }
0xa5: {  	[hbm4b:s4+s2] =	stream.indirect_vreg.scatter [tilespmem:s28], [sflag:$0x2], $0x80, v3, vm0, $0xb8;
	[tilespmem:$0xC100] =	vst v63  }
0xa6: {  	_ = 	snop  }
0xa7: {  	[hbm4b:s5+s2] =	stream.indirect_vreg.scatter [tilespmem:s29], [sflag:$0x2], $0x80, v3, vm0, $0xb8;
	[tilespmem:$0xC100] =	vst v63  }
0xa8: {  	v3 =	vld [tilespmem:$0xB0];
	_ =	sdelay $0x4  }
0xa9: {  	v63 =	vshrl.u32 v3, $0x3  }
0xaa: {  	v4 =	vmul.u32 $0x30, v63  }
0xab: {  	v3 =	vand.u32 $0x7, v3  }
0xac: {  	v3 =	vor.u32 v3, v4  }
0xad: {  	v4 =	vperm.xlane v3, v0;
	_ =	sdelay $0x1  }
0xae: {  	v4 =	vadd.s32 v1, v4;
	_ =	sdelay $0x3  }
0xaf: {  	v3 =	vperm.xlane v3, v2  }
0xb0: {  	[hbm4b:s3+s2] =	stream.indirect_vreg.scatter [tilespmem:s30], [sflag:$0x2], $0x80, v4, vm0, $0xb8;
	[tilespmem:$0xC100] =	vst v63  }
0xb1: {  	v3 =	vadd.s32 v1, v3  }
0xb2: {  	[hbm4b:s4+s2] =	stream.indirect_vreg.scatter [tilespmem:s31], [sflag:$0x2], $0x80, v4, vm0, $0xb8;
	[tilespmem:$0xC100] =	vst v63  }
0xb3: {  	_ = 	snop  }
0xb4: {  	[hbm4b:s5+s2] =	stream.indirect_vreg.scatter [tilespmem:s0], [sflag:$0x2], $0x80, v4, vm0, $0xb8;
	[tilespmem:$0xC100] =	vst v63  }
0xb5: {  	_ = 	snop  }
0xb6: {  	[hbm4b:s3+s2] =	stream.indirect_vreg.scatter [tilespmem:s1], [sflag:$0x2], $0x80, v3, vm0, $0xb8;
	[tilespmem:$0xC100] =	vst v63  }
0xb7: {  	_ = 	snop  }
0xb8: {  	[hbm4b:s4+s2] =	stream.indirect_vreg.scatter [tilespmem:s11], [sflag:$0x2], $0x80, v3, vm0, $0xb8;
	[tilespmem:$0xC100] =	vst v63  }
0xb9: {  	_ = 	snop  }
0xba: {  	[hbm4b:s5+s2] =	stream.indirect_vreg.scatter [tilespmem:s7], [sflag:$0x2], $0x80, v3, vm0, $0xb8;
	[tilespmem:$0xC100] =	vst v63  }
0xbb: {  	p0 =	sne.s32 s6, $0x1;
	_ =	swait.ge [sflag:s8], $0xC000  }
.Ltmp0:
0xbc: {  	[sflag:s8] =	ssyncset.done $0x0;
	(pc) =	sbr.rel @p0 .LBB2_1-.Ltmp0, $4  }
0xbd: {  	[sflag:s8] =	ssyncadd.s32 $0xFFFF4000  }
0xbe: {  	_ =	swait.ge [sflag:s9], $0xC000  }
0xbf: {  	[sflag:s9] =	ssyncset.done $0x0  }
0xc0: {  	s6 =	sadd.s32 $0xFFFFFFFF, s6;
	[sflag:s9] =	ssyncadd.s32 $0xFFFF4000  }
0xc1: {  	_ =	sfence.sel $0x180000  }
0xc2: {  	[bflag:$0x0] =	sbarrier.arrive $0xFFFF  }
0xc3: {  	_ =	strace $0x90000047  }
0xc4: {  	s0 =	stileid.u32;
	[bflag:$0x2] =	sbarrier.arrive $0xFFFF  }
0xc5: {  	p0 =	sne.s32 s0, $0x0;
	s0 =	rddreg [dreg:$0x2]  }
0xc6: {  	s0 =	sadd.s32 @!p0 $0x100000, s0  }
0xc7: {  	[sflag:s0] =	ssyncadd.tile.s32 @!p0 $0x1;
	_ =	shalt  }
.Lfunc_end2:
_tile_overlayer_lowered:
.L_overlay_start_2:
0xc8: {  	(tag) =	ssettag $0x2  }
0xc9: {  	s0 =	rddreg [dreg:$0x0];
	s2 =	stileid.u32  }
0xca: {  	s1 =	rddreg [dreg:$0x1];
	p0 =	sne.s32 s2, $0x0  }
0xcb: {  	s3 =	rddreg [dreg:$0x2];
	[bflag:$0x3] =	sbarrier.arrive $0xFFFF;
	s2 =	simm.s32 @!p0 $0x1C04  }
0xcc: {  	[timem:s3], [sflag:s2] =	dma.local @!p0 [hbm:s0], s1  }
0xcd: {  	s0 =	simm.s32 @!p0 $0x4  }
0xce: {  	_ =	swait.ge @!p0 [sflag:s0], s1  }
0xcf: {  	s1 =	ssub.s32 @!p0 $0x0, s1;
	[sflag:s0] =	ssyncset.done @!p0 $0x0  }
0xd0: {  	[sflag:s0] =	ssyncadd.s32 @!p0 s1  }
0xd1: {  	[bflag:$0x3] =	sbarrier.arrive $0xFFFF  }
0xd2: {  	_ =	shalt  }

</sc_bundles>
